<compile_context>
chip_gen: v7x
topology: tpu7x:2x2x1
jax: 0.10.2.dev20260603
libtpu: 0.0.44.dev20260713+nightly
codegen_flags: <defaults>
</compile_context>

<pallas_src>
import functools

import jax
import jax.numpy as jnp
from jax import lax
from jax.experimental import pallas as pl
from jax.experimental.pallas import tpu as pltpu
from jax.experimental.pallas import tpu_sc as plsc

N = 10000
E = 320000
D = 128

NC = 2
NS = 16
NW = NC * NS
ET = E // NW
C = 128
GR = 80
GG = 2
GPR = GR // GG
NPAD = 10112
RPT = NPAD // NS
CG = 80
CP = jax.ShapeDtypeStruct


def _sc_agg(x, src2, dst2):
  mesh = plsc.VectorSubcoreMesh(core_axis_name="c", subcore_axis_name="s")

  @functools.partial(
      pl.kernel,
      out_type=CP((NC, NPAD, D), jnp.float32),
      mesh=mesh,
      scratch_types=[
          pltpu.VMEM((GPR, C), jnp.int32),
          pltpu.VMEM((GPR, C), jnp.int32),
          pltpu.VMEM((C, D), jnp.float32),
          pltpu.VMEM((C, D), jnp.float32),
          pltpu.VMEM_SHARED((NPAD, D), jnp.float32),
          pltpu.SemaphoreType.DMA,
          pltpu.SemaphoreType.DMA,
      ],
      compiler_params=pltpu.CompilerParams(needs_layout_passes=False),
  )
  def k(x_hbm, src_hbm, dst_hbm, zz_hbm, agg_out, src_v, dst_v, rows0, rows1,
        agg_sh, sem0, sem1):
    cid = lax.axis_index("c")
    sid = lax.axis_index("s")
    wid = cid * NS + sid
    base = wid * GR

    pltpu.sync_copy(zz_hbm, rows0.at[pl.ds(0, 8)])

    def zacc(i, carry):
      pltpu.sync_copy(rows0.at[pl.ds(0, 8)],
                      agg_sh.at[pl.ds(sid * RPT + i * 8, 8)])
      return carry

    lax.fori_loop(0, RPT // 8, zacc, 0)
    plsc.subcore_barrier()

    for g, gn in ((0, GPR), (1, GPR - 1)):
      pltpu.sync_copy(src_hbm.at[pl.ds(base + g * GPR, GPR)], src_v)
      pltpu.sync_copy(dst_hbm.at[pl.ds(base + g * GPR, GPR)], dst_v)
      pltpu.async_copy(x_hbm.at[src_v.at[0]], rows0, sem0)

      def body(j, carry):
        @pl.when(j + 1 < gn)
        def _pref():
          @pl.when(lax.rem(j, 2) == 0)
          def _():
            pltpu.async_copy(x_hbm.at[src_v.at[j + 1]], rows1, sem1)
          @pl.when(lax.rem(j, 2) == 1)
          def _():
            pltpu.async_copy(x_hbm.at[src_v.at[j + 1]], rows0, sem0)

        @pl.when(lax.rem(j, 2) == 0)
        def _even():
          pltpu.make_async_copy(x_hbm.at[src_v.at[j]], rows0, sem0).wait()
          pltpu.sync_copy(rows0, agg_sh.at[dst_v.at[j]], add=True)

        @pl.when(lax.rem(j, 2) == 1)
        def _odd():
          pltpu.make_async_copy(x_hbm.at[src_v.at[j]], rows1, sem1).wait()
          pltpu.sync_copy(rows1, agg_sh.at[dst_v.at[j]], add=True)

        return carry

      lax.fori_loop(0, gn, body, 0)
    plsc.subcore_barrier()

    pltpu.sync_copy(agg_sh.at[pl.ds(sid * RPT, RPT)],
                    agg_out.at[cid, pl.ds(sid * RPT, RPT)])

  return k(x, src2, dst2, jnp.zeros((8, D), jnp.float32))


def _sc_cnt(dst2):
  mesh = plsc.VectorSubcoreMesh(core_axis_name="c", subcore_axis_name="s")

  @functools.partial(
      pl.kernel,
      out_type=CP((NC, CG, D), jnp.float32),
      mesh=mesh,
      scratch_types=[
          pltpu.VMEM((GR, C), jnp.int32),
          pltpu.VMEM((CG, D), jnp.float32),
          pltpu.VMEM((CG,), jnp.int32),
          pltpu.VMEM_SHARED((CG, D), jnp.float32),
      ],
      compiler_params=pltpu.CompilerParams(needs_layout_passes=False),
  )
  def k(dst_hbm, zz_hbm, cnt_out, dst_v, cnt_v, iota_v, cnt_sh):
    cid = lax.axis_index("c")
    sid = lax.axis_index("s")
    wid = cid * NS + sid

    pltpu.sync_copy(dst_hbm.at[pl.ds(wid * GR, GR)], dst_v)

    zeros16 = jnp.zeros((16,), jnp.float32)
    lanes16 = lax.iota(jnp.int32, 16)

    def crow(i, carry):
      def ccol(c, carry2):
        cnt_v[i, pl.ds(c * 16, 16)] = zeros16
        return carry2
      return lax.fori_loop(0, D // 16, ccol, carry)

    lax.fori_loop(0, CG, crow, 0)

    def irow(i, carry):
      iota_v[pl.ds(i * 16, 16)] = lanes16 + i * 16
      return carry

    lax.fori_loop(0, CG // 16, irow, 0)

    @pl.when(sid < CG // 8)
    def _zcnt():
      pltpu.sync_copy(zz_hbm, cnt_sh.at[pl.ds(sid * 8, 8)])

    plsc.subcore_barrier()

    ones16 = jnp.full((16,), 1.0, jnp.float32)

    def body(j, carry):
      for kk in range(C // 16):
        idx = dst_v[j, pl.ds(kk * 16, 16)]
        plsc.addupdate_scatter(
            cnt_v, [lax.shift_right_logical(idx, 7),
                    jnp.bitwise_and(idx, 127)], ones16)
      return carry

    lax.fori_loop(0, GR, body, 0)

    pltpu.sync_copy(cnt_v, cnt_sh.at[iota_v], add=True)
    plsc.subcore_barrier()

    @pl.when(sid < CG // 8)
    def _ccnt():
      pltpu.sync_copy(cnt_sh.at[pl.ds(sid * 8, 8)],
                      cnt_out.at[cid, pl.ds(sid * 8, 8)])

  return k(dst2, jnp.zeros((8, D), jnp.float32))


def _tc_tail(agg2, cnt2, x, W_l, b_l, W_r, gamma, beta):

  def body(agg_ref, cnt_ref, x_ref, wl_ref, bl_ref, wr_ref, g_ref, b_ref,
           o_ref):
    a = (agg_ref[0] + agg_ref[1])[:N]
    cnt = jnp.maximum(cnt_ref[0] + cnt_ref[1], 1.0)
    mean = a / cnt
    xv = x_ref[...]
    pre = (
        lax.dot_general(mean, wl_ref[...], (((1,), (1,)), ((), ())),
                        preferred_element_type=jnp.float32)
        + bl_ref[...]
        + lax.dot_general(xv, wr_ref[...], (((1,), (1,)), ((), ())),
                          preferred_element_type=jnp.float32)
    )
    mu = jnp.mean(pre, axis=0, keepdims=True)
    var = jnp.mean((pre - mu) ** 2, axis=0, keepdims=True)
    y = (pre - mu) * lax.rsqrt(var + 1e-5) * g_ref[...] + b_ref[...]
    y = jnp.where(y >= 0, y, 0.01 * y)
    o_ref[...] = y + xv

  return pl.pallas_call(
      body,
      out_shape=CP((N, D), jnp.float32),
  )(agg2, cnt2, x, W_l.reshape(D, D), b_l.reshape(1, D), W_r.reshape(D, D),
    gamma.reshape(1, D), beta.reshape(1, D))


def kernel(x, edge_index, W_l, b_l, W_r, gamma, beta):
  npd = GR * C - ET
  sdst = N + jnp.arange(npd, dtype=jnp.int32) % (NPAD - N)
  ssrc = jnp.arange(npd, dtype=jnp.int32) * 89 % N
  src2 = jnp.concatenate(
      [edge_index[0].reshape(NW, ET),
       jnp.broadcast_to(ssrc, (NW, npd))], axis=1).reshape(NW * GR, C)
  dst2 = jnp.concatenate(
      [edge_index[1].reshape(NW, ET),
       jnp.broadcast_to(sdst, (NW, npd))], axis=1).reshape(NW * GR, C)
  agg2 = _sc_agg(x, src2, dst2)
  cntg = _sc_cnt(dst2)
  cnt2 = cntg.reshape(NC, CG * D, 1)[:, :N]
  return _tc_tail(agg2, cnt2, x, W_l, b_l, W_r, gamma, beta)

# --- scband reference (transcript-rebuilt; emitter-appended) ---
"""Pipeline reference for scband-graph-block-58136677318975 (READ-ONLY COPY).

The authoritative reference and input builder live on the scoring server;
editing this copy changes nothing except your own understanding.
"""

import jax, jax.numpy as jnp
import numpy as np

N = 10000
E = 320000
D = 128

def setup_inputs(seed: int = 0):
    key = jax.random.key(seed)
    k1, k2, k3, k4, k5 = jax.random.split(key, 5)
    x = jax.random.normal(k1, (N, D), dtype=jnp.float32)
    edge_index = jax.random.randint(k2, (2, E), 0, N, dtype=jnp.int32)
    W_l = jax.random.normal(k3, (D, D), dtype=jnp.float32) * 0.05
    b_l = jnp.zeros((D,), dtype=jnp.float32)
    W_r = jax.random.normal(k4, (D, D), dtype=jnp.float32) * 0.05
    gamma = jnp.ones((D,), dtype=jnp.float32)
    beta = jnp.zeros((D,), dtype=jnp.float32)
    return {"x": x, "edge_index": edge_index, "W_l": W_l, "b_l": b_l, "W_r": W_r, "gamma": gamma, "beta": beta}

def reference(x, edge_index, W_l, b_l, W_r, gamma, beta):
    src = edge_index[0]
    dst = edge_index[1]
    # SAGEConv with mean aggregation: gather neighbor features, segment-mean by dst
    msgs = x[src]
    agg = jax.ops.segment_sum(msgs, dst, num_segments=N)
    cnt = jax.ops.segment_sum(jnp.ones((E,), dtype=x.dtype), dst, num_segments=N)
    mean_agg = agg / jnp.clip(cnt, 1.0)[:, None]
    out = mean_agg @ W_l.T + b_l + x @ W_r.T
    # BatchNorm1d (training mode: batch statistics, biased variance, eps=1e-5)
    mu = jnp.mean(out, axis=0)
    var = jnp.var(out, axis=0)
    out = (out - mu) / jnp.sqrt(var + 1e-5) * gamma + beta
    # Dropout p=0.0 is identity
    # LeakyReLU (negative_slope=0.01)
    out = jnp.where(out >= 0, out, 0.01 * out)
    # residual
    out = out + x
    return out

if __name__ == "__main__":
    import jax
    _d = setup_inputs()
    print(jax.jit(kernel)(*tuple(_d.values())))

</pallas_src>

<mosaic_0001>
#map = affine_map<(d0, d1) -> (0, 0)>
#map1 = affine_map<(d0, d1) -> (0, 0, 0)>
module attributes {stable_mosaic.version = 14 : i64} {
  func.func @k(%arg0: i32, %arg1: i32, %arg2: memref<2560x128xi32, #tpu.memory_space<hbm>>, %arg3: memref<8x128xf32, #tpu.memory_space<hbm>>, %arg4: memref<2x80x128xf32, #tpu.memory_space<hbm>>, %arg5: memref<80x128xi32, #tpu.memory_space<vmem>>, %arg6: memref<80x128xf32, #tpu.memory_space<vmem>>, %arg7: memref<80xi32, #tpu.memory_space<vmem>>, %arg8: memref<80x128xf32, #tpu.memory_space<vmem_shared>>) attributes {dimension_semantics = [#tpu.dimension_semantics<core_parallel>, #tpu.dimension_semantics<subcore_parallel>], iteration_bounds = array<i64: 2, 16>, scalar_prefetch = 0 : i64, scratch_operands = 4 : i64, tpu.core_type = #tpu.core_type<sc_vector_subcore>, window_params = [{transform_indices = #map}, {transform_indices = #map}, {transform_indices = #map1}]} {
    %mul3A = arith.constant 16 : i32
    %mul3A_0 = arith.muli %arg0, %mul3A : i32
    %add3A = arith.addi %mul3A_0, %arg1 : i32
    %mul3A_1 = arith.constant 80 : i32
    %mul3A_2 = arith.muli %add3A, %mul3A_1 : i32
    "tpu.region"() ({
      %run_scoped3A = tpu.sem_alloc : memref<!tpu.dma_semaphore, #tpu.memory_space<semaphore_mem>>
      %dma_start3A = arith.constant 0 : i32
      %dma_start3A_31 = tpu.memref_slice %arg2[%mul3A_2, %dma_start3A] : memref<2560x128xi32, #tpu.memory_space<hbm>> -> memref<80x128xi32, #tpu.memory_space<hbm>>
      %dma_start3A_32 = arith.constant 0 : i32
      %dma_start3A_33 = tpu.memref_slice %arg2[%mul3A_2, %dma_start3A_32] : memref<2560x128xi32, #tpu.memory_space<hbm>> -> memref<80x128xi32, #tpu.memory_space<hbm>>
      tpu.enqueue_dma source(%dma_start3A_33 : memref<80x128xi32, #tpu.memory_space<hbm>>) target(%arg5 : memref<80x128xi32, #tpu.memory_space<vmem>>) target_semaphore(%run_scoped3A : memref<!tpu.dma_semaphore, #tpu.memory_space<semaphore_mem>>)
      %dma_wait3A = arith.constant 0 : i32
      %dma_wait3A_34 = tpu.memref_slice %arg2[%mul3A_2, %dma_wait3A] : memref<2560x128xi32, #tpu.memory_space<hbm>> -> memref<80x128xi32, #tpu.memory_space<hbm>>
      %dma_wait3A_35 = arith.constant 0 : i32
      %dma_wait3A_36 = tpu.memref_slice %arg2[%mul3A_2, %dma_wait3A_35] : memref<2560x128xi32, #tpu.memory_space<hbm>> -> memref<80x128xi32, #tpu.memory_space<hbm>>
      tpu.wait_dma2 semaphore(%run_scoped3A : memref<!tpu.dma_semaphore, #tpu.memory_space<semaphore_mem>>) src(%dma_wait3A_36 : memref<80x128xi32, #tpu.memory_space<hbm>>) dst(%arg5 : memref<80x128xi32, #tpu.memory_space<vmem>>)
      tpu.yield
    }) : () -> ()
    %broadcast_in_dim3A = arith.constant 0.000000e+00 : f32
    %broadcast_in_dim3A_3 = vector.broadcast %broadcast_in_dim3A : f32 to vector<16xf32>
    %iota3A = tpu.iota {dimensions = array<i32: 0>} : vector<16xi32>
    %scan3A = arith.constant 0 : i32
    %scan3A_4 = arith.constant 0 : i32
    %scan3A_5 = arith.constant 80 : i32
    %scan3A_6 = arith.addi %scan3A_4, %scan3A_5 : i32
    %scan3A_7 = arith.constant 1 : i32
    scf.for %scan3A_31 = %scan3A_4 to %scan3A_6 step %scan3A_7  : i32 {
      %scan3A_32 = arith.constant 0 : i32
      %scan3A_33 = arith.constant 8 : i32
      %scan3A_34 = arith.addi %scan3A_32, %scan3A_33 : i32
      %scan3A_35 = arith.constant 1 : i32
      scf.for %scan3A_37 = %scan3A_32 to %scan3A_34 step %scan3A_35  : i32 {
        %mul3A_38 = arith.constant 16 : i32
        %mul3A_39 = arith.muli %scan3A_37, %mul3A_38 : i32
        %swap3A = arith.index_cast %scan3A_31 : i32 to index
        %swap3A_40 = arith.index_cast %mul3A_39 : i32 to index
        %swap3A_41 = tpu.vector_load %arg6[%swap3A, %swap3A_40] {strides = array<i32>} : memref<80x128xf32, #tpu.memory_space<vmem>>, vector<16xf32>,
        tpu.vector_store %arg6[%swap3A, %swap3A_40], %broadcast_in_dim3A_3 {strides = array<i32>} : memref<80x128xf32, #tpu.memory_space<vmem>>, vector<16xf32>,
      }
      %scan3A_36 = arith.constant 8 : i32
    }
    %scan3A_8 = arith.constant 80 : i32
    %scan3A_9 = arith.constant 0 : i32
    %scan3A_10 = arith.constant 0 : i32
    %scan3A_11 = arith.constant 5 : i32
    %scan3A_12 = arith.addi %scan3A_10, %scan3A_11 : i32
    %scan3A_13 = arith.constant 1 : i32
    scf.for %scan3A_31 = %scan3A_10 to %scan3A_12 step %scan3A_13  : i32 {
      %mul3A_32 = arith.constant 16 : i32
      %mul3A_33 = arith.muli %scan3A_31, %mul3A_32 : i32
      %add3A_34 = vector.broadcast %mul3A_33 : i32 to vector<16xi32>
      %add3A_35 = arith.addi %iota3A, %add3A_34 : vector<16xi32>
      %mul3A_36 = arith.constant 16 : i32
      %mul3A_37 = arith.muli %scan3A_31, %mul3A_36 : i32
      %swap3A = arith.index_cast %mul3A_37 : i32 to index
      %swap3A_38 = tpu.vector_load %arg7[%swap3A] {strides = array<i32>} : memref<80xi32, #tpu.memory_space<vmem>>, vector<16xi32>,
      tpu.vector_store %arg7[%swap3A], %add3A_35 {strides = array<i32>} : memref<80xi32, #tpu.memory_space<vmem>>, vector<16xi32>,
    }
    %scan3A_14 = arith.constant 5 : i32
    %lt3A = arith.constant 10 : i32
    %lt3A_15 = arith.cmpi slt, %arg1, %lt3A : i32
    %convert_element_type3A = arith.extui %lt3A_15 : i1 to i32
    %cond3A = arith.constant 0 : i32
    %cond3A_16 = arith.cmpi ne, %convert_element_type3A, %cond3A : i32
    scf.if %cond3A_16 {
      %mul3A_31 = arith.constant 8 : i32
      %mul3A_32 = arith.muli %arg1, %mul3A_31 : i32
      "tpu.region"() ({
        %run_scoped3A = tpu.sem_alloc : memref<!tpu.dma_semaphore, #tpu.memory_space<semaphore_mem>>
        %dma_start3A = arith.constant 0 : i32
        %dma_start3A_33 = tpu.memref_slice %arg8[%mul3A_32, %dma_start3A] : memref<80x128xf32, #tpu.memory_space<vmem_shared>> -> memref<8x128xf32, #tpu.memory_space<vmem_shared>>
        tpu.enqueue_dma source(%arg3 : memref<8x128xf32, #tpu.memory_space<hbm>>) target(%dma_start3A_33 : memref<8x128xf32, #tpu.memory_space<vmem_shared>>) target_semaphore(%run_scoped3A : memref<!tpu.dma_semaphore, #tpu.memory_space<semaphore_mem>>)
        %dma_wait3A = arith.constant 0 : i32
        %dma_wait3A_34 = tpu.memref_slice %arg8[%mul3A_32, %dma_wait3A] : memref<80x128xf32, #tpu.memory_space<vmem_shared>> -> memref<8x128xf32, #tpu.memory_space<vmem_shared>>
        tpu.wait_dma2 semaphore(%run_scoped3A : memref<!tpu.dma_semaphore, #tpu.memory_space<semaphore_mem>>) src(%arg3 : memref<8x128xf32, #tpu.memory_space<hbm>>) dst(%dma_wait3A_34 : memref<8x128xf32, #tpu.memory_space<vmem_shared>>)
        tpu.yield
      }) : () -> ()
    } else {
    }
    %barrier3A = arith.constant 0 : index
    tpu.barrier barrier_id(%barrier3A)
    %broadcast_in_dim3A_17 = arith.constant 1.000000e+00 : f32
    %broadcast_in_dim3A_18 = vector.broadcast %broadcast_in_dim3A_17 : f32 to vector<16xf32>
    %scan3A_19 = arith.constant 0 : i32
    %scan3A_20 = arith.constant 0 : i32
    %scan3A_21 = arith.constant 80 : i32
    %scan3A_22 = arith.addi %scan3A_20, %scan3A_21 : i32
    %scan3A_23 = arith.constant 1 : i32
    scf.for %scan3A_31 = %scan3A_20 to %scan3A_22 step %scan3A_23  : i32 {
      %get3A = arith.index_cast %scan3A_31 : i32 to index
      %get3A_32 = arith.constant 0 : index
      %get3A_33 = tpu.vector_load %arg5[%get3A, %get3A_32] {strides = array<i32>} : memref<80x128xi32, #tpu.memory_space<vmem>>, vector<16xi32>,
      %shift_right_logical3A = arith.constant 7 : i32
      %shift_right_logical3A_34 = vector.broadcast %shift_right_logical3A : i32 to vector<16xi32>
      %shift_right_logical3A_35 = arith.shrui %get3A_33, %shift_right_logical3A_34 : vector<16xi32>
      %and3A = arith.constant 127 : i32
      %and3A_36 = vector.broadcast %and3A : i32 to vector<16xi32>
      %and3A_37 = arith.andi %get3A_33, %and3A_36 : vector<16xi32>
      tpu.vector_store_idx %arg6[%shift_right_logical3A_35, %and3A_37], %broadcast_in_dim3A_18 {add = true} : memref<80x128xf32, #tpu.memory_space<vmem>>[vector<16xi32>, vector<16xi32>], vector<16xf32>,
      %get3A_38 = arith.index_cast %scan3A_31 : i32 to index
      %get3A_39 = arith.constant 16 : index
      %get3A_40 = tpu.vector_load %arg5[%get3A_38, %get3A_39] {strides = array<i32>} : memref<80x128xi32, #tpu.memory_space<vmem>>, vector<16xi32>,
      %shift_right_logical3A_41 = arith.constant 7 : i32
      %shift_right_logical3A_42 = vector.broadcast %shift_right_logical3A_41 : i32 to vector<16xi32>
      %shift_right_logical3A_43 = arith.shrui %get3A_40, %shift_right_logical3A_42 : vector<16xi32>
      %and3A_44 = arith.constant 127 : i32
      %and3A_45 = vector.broadcast %and3A_44 : i32 to vector<16xi32>
      %and3A_46 = arith.andi %get3A_40, %and3A_45 : vector<16xi32>
      tpu.vector_store_idx %arg6[%shift_right_logical3A_43, %and3A_46], %broadcast_in_dim3A_18 {add = true} : memref<80x128xf32, #tpu.memory_space<vmem>>[vector<16xi32>, vector<16xi32>], vector<16xf32>,
      %get3A_47 = arith.index_cast %scan3A_31 : i32 to index
      %get3A_48 = arith.constant 32 : index
      %get3A_49 = tpu.vector_load %arg5[%get3A_47, %get3A_48] {strides = array<i32>} : memref<80x128xi32, #tpu.memory_space<vmem>>, vector<16xi32>,
      %shift_right_logical3A_50 = arith.constant 7 : i32
      %shift_right_logical3A_51 = vector.broadcast %shift_right_logical3A_50 : i32 to vector<16xi32>
      %shift_right_logical3A_52 = arith.shrui %get3A_49, %shift_right_logical3A_51 : vector<16xi32>
      %and3A_53 = arith.constant 127 : i32
      %and3A_54 = vector.broadcast %and3A_53 : i32 to vector<16xi32>
      %and3A_55 = arith.andi %get3A_49, %and3A_54 : vector<16xi32>
      tpu.vector_store_idx %arg6[%shift_right_logical3A_52, %and3A_55], %broadcast_in_dim3A_18 {add = true} : memref<80x128xf32, #tpu.memory_space<vmem>>[vector<16xi32>, vector<16xi32>], vector<16xf32>,
      %get3A_56 = arith.index_cast %scan3A_31 : i32 to index
      %get3A_57 = arith.constant 48 : index
      %get3A_58 = tpu.vector_load %arg5[%get3A_56, %get3A_57] {strides = array<i32>} : memref<80x128xi32, #tpu.memory_space<vmem>>, vector<16xi32>,
      %shift_right_logical3A_59 = arith.constant 7 : i32
      %shift_right_logical3A_60 = vector.broadcast %shift_right_logical3A_59 : i32 to vector<16xi32>
      %shift_right_logical3A_61 = arith.shrui %get3A_58, %shift_right_logical3A_60 : vector<16xi32>
      %and3A_62 = arith.constant 127 : i32
      %and3A_63 = vector.broadcast %and3A_62 : i32 to vector<16xi32>
      %and3A_64 = arith.andi %get3A_58, %and3A_63 : vector<16xi32>
      tpu.vector_store_idx %arg6[%shift_right_logical3A_61, %and3A_64], %broadcast_in_dim3A_18 {add = true} : memref<80x128xf32, #tpu.memory_space<vmem>>[vector<16xi32>, vector<16xi32>], vector<16xf32>,
      %get3A_65 = arith.index_cast %scan3A_31 : i32 to index
      %get3A_66 = arith.constant 64 : index
      %get3A_67 = tpu.vector_load %arg5[%get3A_65, %get3A_66] {strides = array<i32>} : memref<80x128xi32, #tpu.memory_space<vmem>>, vector<16xi32>,
      %shift_right_logical3A_68 = arith.constant 7 : i32
      %shift_right_logical3A_69 = vector.broadcast %shift_right_logical3A_68 : i32 to vector<16xi32>
      %shift_right_logical3A_70 = arith.shrui %get3A_67, %shift_right_logical3A_69 : vector<16xi32>
      %and3A_71 = arith.constant 127 : i32
      %and3A_72 = vector.broadcast %and3A_71 : i32 to vector<16xi32>
      %and3A_73 = arith.andi %get3A_67, %and3A_72 : vector<16xi32>
      tpu.vector_store_idx %arg6[%shift_right_logical3A_70, %and3A_73], %broadcast_in_dim3A_18 {add = true} : memref<80x128xf32, #tpu.memory_space<vmem>>[vector<16xi32>, vector<16xi32>], vector<16xf32>,
      %get3A_74 = arith.index_cast %scan3A_31 : i32 to index
      %get3A_75 = arith.constant 80 : index
      %get3A_76 = tpu.vector_load %arg5[%get3A_74, %get3A_75] {strides = array<i32>} : memref<80x128xi32, #tpu.memory_space<vmem>>, vector<16xi32>,
      %shift_right_logical3A_77 = arith.constant 7 : i32
      %shift_right_logical3A_78 = vector.broadcast %shift_right_logical3A_77 : i32 to vector<16xi32>
      %shift_right_logical3A_79 = arith.shrui %get3A_76, %shift_right_logical3A_78 : vector<16xi32>
      %and3A_80 = arith.constant 127 : i32
      %and3A_81 = vector.broadcast %and3A_80 : i32 to vector<16xi32>
      %and3A_82 = arith.andi %get3A_76, %and3A_81 : vector<16xi32>
      tpu.vector_store_idx %arg6[%shift_right_logical3A_79, %and3A_82], %broadcast_in_dim3A_18 {add = true} : memref<80x128xf32, #tpu.memory_space<vmem>>[vector<16xi32>, vector<16xi32>], vector<16xf32>,
      %get3A_83 = arith.index_cast %scan3A_31 : i32 to index
      %get3A_84 = arith.constant 96 : index
      %get3A_85 = tpu.vector_load %arg5[%get3A_83, %get3A_84] {strides = array<i32>} : memref<80x128xi32, #tpu.memory_space<vmem>>, vector<16xi32>,
      %shift_right_logical3A_86 = arith.constant 7 : i32
      %shift_right_logical3A_87 = vector.broadcast %shift_right_logical3A_86 : i32 to vector<16xi32>
      %shift_right_logical3A_88 = arith.shrui %get3A_85, %shift_right_logical3A_87 : vector<16xi32>
      %and3A_89 = arith.constant 127 : i32
      %and3A_90 = vector.broadcast %and3A_89 : i32 to vector<16xi32>
      %and3A_91 = arith.andi %get3A_85, %and3A_90 : vector<16xi32>
      tpu.vector_store_idx %arg6[%shift_right_logical3A_88, %and3A_91], %broadcast_in_dim3A_18 {add = true} : memref<80x128xf32, #tpu.memory_space<vmem>>[vector<16xi32>, vector<16xi32>], vector<16xf32>,
      %get3A_92 = arith.index_cast %scan3A_31 : i32 to index
      %get3A_93 = arith.constant 112 : index
      %get3A_94 = tpu.vector_load %arg5[%get3A_92, %get3A_93] {strides = array<i32>} : memref<80x128xi32, #tpu.memory_space<vmem>>, vector<16xi32>,
      %shift_right_logical3A_95 = arith.constant 7 : i32
      %shift_right_logical3A_96 = vector.broadcast %shift_right_logical3A_95 : i32 to vector<16xi32>
      %shift_right_logical3A_97 = arith.shrui %get3A_94, %shift_right_logical3A_96 : vector<16xi32>
      %and3A_98 = arith.constant 127 : i32
      %and3A_99 = vector.broadcast %and3A_98 : i32 to vector<16xi32>
      %and3A_100 = arith.andi %get3A_94, %and3A_99 : vector<16xi32>
      tpu.vector_store_idx %arg6[%shift_right_logical3A_97, %and3A_100], %broadcast_in_dim3A_18 {add = true} : memref<80x128xf32, #tpu.memory_space<vmem>>[vector<16xi32>, vector<16xi32>], vector<16xf32>,
    }
    %scan3A_24 = arith.constant 80 : i32
    "tpu.region"() ({
      %run_scoped3A = tpu.sem_alloc : memref<!tpu.dma_semaphore, #tpu.memory_space<semaphore_mem>>
      %dma_start3A = arith.constant 0 : i32
      %dma_start3A_31 = arith.constant 0 : i32
      %dma_start3A_32 = tpu.memref_slice %arg8[%dma_start3A, %dma_start3A_31] : memref<80x128xf32, #tpu.memory_space<vmem_shared>> -> memref<80x128xf32, #tpu.memory_space<vmem_shared>>
      tpu.enqueue_indirect_dma source(%arg6 : memref<80x128xf32, #tpu.memory_space<vmem>>) target(%dma_start3A_32 : memref<80x128xf32, #tpu.memory_space<vmem_shared>>) offsets(%arg7 : memref<80xi32, #tpu.memory_space<vmem>>) semaphore(%run_scoped3A : memref<!tpu.dma_semaphore, #tpu.memory_space<semaphore_mem>>) {add = true}
      %dma_wait3A = arith.constant 0 : i32
      %dma_wait3A_33 = arith.constant 0 : i32
      %dma_wait3A_34 = tpu.memref_slice %arg8[%dma_wait3A, %dma_wait3A_33] : memref<80x128xf32, #tpu.memory_space<vmem_shared>> -> memref<80x128xf32, #tpu.memory_space<vmem_shared>>
      tpu.wait_indirect_dma semaphore(%run_scoped3A : memref<!tpu.dma_semaphore, #tpu.memory_space<semaphore_mem>>) src(%arg6 : memref<80x128xf32, #tpu.memory_space<vmem>>) dst(%dma_wait3A_34 : memref<80x128xf32, #tpu.memory_space<vmem_shared>>)
      tpu.yield
    }) : () -> ()
    %barrier3A_25 = arith.constant 0 : index
    tpu.barrier barrier_id(%barrier3A_25)
    %lt3A_26 = arith.constant 10 : i32
    %lt3A_27 = arith.cmpi slt, %arg1, %lt3A_26 : i32
    %convert_element_type3A_28 = arith.extui %lt3A_27 : i1 to i32
    %cond3A_29 = arith.constant 0 : i32
    %cond3A_30 = arith.cmpi ne, %convert_element_type3A_28, %cond3A_29 : i32
    scf.if %cond3A_30 {
      %mul3A_31 = arith.constant 8 : i32
      %mul3A_32 = arith.muli %arg1, %mul3A_31 : i32
      %mul3A_33 = arith.constant 8 : i32
      %mul3A_34 = arith.muli %arg1, %mul3A_33 : i32
      "tpu.region"() ({
        %run_scoped3A = tpu.sem_alloc : memref<!tpu.dma_semaphore, #tpu.memory_space<semaphore_mem>>
        %dma_start3A = arith.constant 0 : i32
        %dma_start3A_35 = tpu.memref_slice %arg4[%arg0, %mul3A_34, %dma_start3A] : memref<2x80x128xf32, #tpu.memory_space<hbm>> -> memref<1x8x128xf32, #tpu.memory_space<hbm>>
        %dma_start3A_36 = tpu.memref_squeeze %dma_start3A_35 : memref<1x8x128xf32, #tpu.memory_space<hbm>> -> memref<8x128xf32, #tpu.memory_space<hbm>>
        %dma_start3A_37 = arith.constant 0 : i32
        %dma_start3A_38 = tpu.memref_slice %arg8[%mul3A_32, %dma_start3A_37] : memref<80x128xf32, #tpu.memory_space<vmem_shared>> -> memref<8x128xf32, #tpu.memory_space<vmem_shared>>
        tpu.enqueue_dma source(%dma_start3A_38 : memref<8x128xf32, #tpu.memory_space<vmem_shared>>) target(%dma_start3A_36 : memref<8x128xf32, #tpu.memory_space<hbm>>) target_semaphore(%run_scoped3A : memref<!tpu.dma_semaphore, #tpu.memory_space<semaphore_mem>>)
        %dma_wait3A = arith.constant 0 : i32
        %dma_wait3A_39 = tpu.memref_slice %arg4[%arg0, %mul3A_34, %dma_wait3A] : memref<2x80x128xf32, #tpu.memory_space<hbm>> -> memref<1x8x128xf32, #tpu.memory_space<hbm>>
        %dma_wait3A_40 = tpu.memref_squeeze %dma_wait3A_39 : memref<1x8x128xf32, #tpu.memory_space<hbm>> -> memref<8x128xf32, #tpu.memory_space<hbm>>
        %dma_wait3A_41 = arith.constant 0 : i32
        %dma_wait3A_42 = tpu.memref_slice %arg8[%mul3A_32, %dma_wait3A_41] : memref<80x128xf32, #tpu.memory_space<vmem_shared>> -> memref<8x128xf32, #tpu.memory_space<vmem_shared>>
        tpu.wait_dma2 semaphore(%run_scoped3A : memref<!tpu.dma_semaphore, #tpu.memory_space<semaphore_mem>>) src(%dma_wait3A_42 : memref<8x128xf32, #tpu.memory_space<vmem_shared>>) dst(%dma_wait3A_40 : memref<8x128xf32, #tpu.memory_space<hbm>>)
        tpu.yield
      }) : () -> ()
    } else {
    }
    return
  }
}

#map = affine_map<(d0, d1) -> (0, 0)>
#map1 = affine_map<(d0, d1) -> (0, 0, 0)>
module attributes {stable_mosaic.version = 14 : i64} {
  func.func @k(%arg0: i32, %arg1: i32, %arg2: memref<10000x128xf32, #tpu.memory_space<hbm>>, %arg3: memref<2560x128xi32, #tpu.memory_space<hbm>>, %arg4: memref<2560x128xi32, #tpu.memory_space<hbm>>, %arg5: memref<8x128xf32, #tpu.memory_space<hbm>>, %arg6: memref<2x10112x128xf32, #tpu.memory_space<hbm>>, %arg7: memref<40x128xi32, #tpu.memory_space<vmem>>, %arg8: memref<40x128xi32, #tpu.memory_space<vmem>>, %arg9: memref<128x128xf32, #tpu.memory_space<vmem>>, %arg10: memref<128x128xf32, #tpu.memory_space<vmem>>, %arg11: memref<10112x128xf32, #tpu.memory_space<vmem_shared>>, %arg12: memref<!tpu.dma_semaphore, #tpu.memory_space<semaphore_mem>>, %arg13: memref<!tpu.dma_semaphore, #tpu.memory_space<semaphore_mem>>) attributes {dimension_semantics = [#tpu.dimension_semantics<core_parallel>, #tpu.dimension_semantics<subcore_parallel>], iteration_bounds = array<i64: 2, 16>, scalar_prefetch = 0 : i64, scratch_operands = 7 : i64, tpu.core_type = #tpu.core_type<sc_vector_subcore>, window_params = [{transform_indices = #map}, {transform_indices = #map}, {transform_indices = #map}, {transform_indices = #map}, {transform_indices = #map1}]} {
    %mul3A = arith.constant 16 : i32
    %mul3A_0 = arith.muli %arg0, %mul3A : i32
    %add3A = arith.addi %mul3A_0, %arg1 : i32
    %mul3A_1 = arith.constant 80 : i32
    %mul3A_2 = arith.muli %add3A, %mul3A_1 : i32
    "tpu.region"() ({
      %run_scoped3A = tpu.sem_alloc : memref<!tpu.dma_semaphore, #tpu.memory_space<semaphore_mem>>
      %dma_start3A_46 = arith.constant 0 : i32
      %dma_start3A_47 = arith.constant 0 : i32
      %dma_start3A_48 = tpu.memref_slice %arg9[%dma_start3A_46, %dma_start3A_47] : memref<128x128xf32, #tpu.memory_space<vmem>> -> memref<8x128xf32, #tpu.memory_space<vmem>>
      %dma_start3A_49 = arith.constant 0 : i32
      %dma_start3A_50 = arith.constant 0 : i32
      %dma_start3A_51 = tpu.memref_slice %arg9[%dma_start3A_49, %dma_start3A_50] : memref<128x128xf32, #tpu.memory_space<vmem>> -> memref<8x128xf32, #tpu.memory_space<vmem>>
      tpu.enqueue_dma source(%arg5 : memref<8x128xf32, #tpu.memory_space<hbm>>) target(%dma_start3A_51 : memref<8x128xf32, #tpu.memory_space<vmem>>) target_semaphore(%run_scoped3A : memref<!tpu.dma_semaphore, #tpu.memory_space<semaphore_mem>>)
      %dma_wait3A = arith.constant 0 : i32
      %dma_wait3A_52 = arith.constant 0 : i32
      %dma_wait3A_53 = tpu.memref_slice %arg9[%dma_wait3A, %dma_wait3A_52] : memref<128x128xf32, #tpu.memory_space<vmem>> -> memref<8x128xf32, #tpu.memory_space<vmem>>
      %dma_wait3A_54 = arith.constant 0 : i32
      %dma_wait3A_55 = arith.constant 0 : i32
      %dma_wait3A_56 = tpu.memref_slice %arg9[%dma_wait3A_54, %dma_wait3A_55] : memref<128x128xf32, #tpu.memory_space<vmem>> -> memref<8x128xf32, #tpu.memory_space<vmem>>
      tpu.wait_dma2 semaphore(%run_scoped3A : memref<!tpu.dma_semaphore, #tpu.memory_space<semaphore_mem>>) src(%arg5 : memref<8x128xf32, #tpu.memory_space<hbm>>) dst(%dma_wait3A_56 : memref<8x128xf32, #tpu.memory_space<vmem>>)
      tpu.yield
    }) : () -> ()
    %scan3A = arith.constant 0 : i32
    %scan3A_3 = arith.constant 0 : i32
    %scan3A_4 = arith.constant 79 : i32
    %scan3A_5 = arith.addi %scan3A_3, %scan3A_4 : i32
    %scan3A_6 = arith.constant 1 : i32
    scf.for %scan3A_46 = %scan3A_3 to %scan3A_5 step %scan3A_6  : i32 {
      %mul3A_47 = arith.constant 632 : i32
      %mul3A_48 = arith.muli %arg1, %mul3A_47 : i32
      %mul3A_49 = arith.constant 8 : i32
      %mul3A_50 = arith.muli %scan3A_46, %mul3A_49 : i32
      %add3A_51 = arith.addi %mul3A_48, %mul3A_50 : i32
      "tpu.region"() ({
        %run_scoped3A = tpu.sem_alloc : memref<!tpu.dma_semaphore, #tpu.memory_space<semaphore_mem>>
        %dma_start3A_52 = arith.constant 0 : i32
        %dma_start3A_53 = arith.constant 0 : i32
        %dma_start3A_54 = tpu.memref_slice %arg9[%dma_start3A_52, %dma_start3A_53] : memref<128x128xf32, #tpu.memory_space<vmem>> -> memref<8x128xf32, #tpu.memory_space<vmem>>
        %dma_start3A_55 = arith.constant 0 : i32
        %dma_start3A_56 = tpu.memref_slice %arg11[%add3A_51, %dma_start3A_55] : memref<10112x128xf32, #tpu.memory_space<vmem_shared>> -> memref<8x128xf32, #tpu.memory_space<vmem_shared>>
        %dma_start3A_57 = arith.constant 0 : i32
        %dma_start3A_58 = tpu.memref_slice %arg11[%add3A_51, %dma_start3A_57] : memref<10112x128xf32, #tpu.memory_space<vmem_shared>> -> memref<8x128xf32, #tpu.memory_space<vmem_shared>>
        %dma_start3A_59 = arith.constant 0 : i32
        %dma_start3A_60 = arith.constant 0 : i32
        %dma_start3A_61 = tpu.memref_slice %arg9[%dma_start3A_59, %dma_start3A_60] : memref<128x128xf32, #tpu.memory_space<vmem>> -> memref<8x128xf32, #tpu.memory_space<vmem>>
        tpu.enqueue_dma source(%dma_start3A_61 : memref<8x128xf32, #tpu.memory_space<vmem>>) target(%dma_start3A_58 : memref<8x128xf32, #tpu.memory_space<vmem_shared>>) target_semaphore(%run_scoped3A : memref<!tpu.dma_semaphore, #tpu.memory_space<semaphore_mem>>)
        %dma_wait3A = arith.constant 0 : i32
        %dma_wait3A_62 = arith.constant 0 : i32
        %dma_wait3A_63 = tpu.memref_slice %arg9[%dma_wait3A, %dma_wait3A_62] : memref<128x128xf32, #tpu.memory_space<vmem>> -> memref<8x128xf32, #tpu.memory_space<vmem>>
        %dma_wait3A_64 = arith.constant 0 : i32
        %dma_wait3A_65 = tpu.memref_slice %arg11[%add3A_51, %dma_wait3A_64] : memref<10112x128xf32, #tpu.memory_space<vmem_shared>> -> memref<8x128xf32, #tpu.memory_space<vmem_shared>>
        %dma_wait3A_66 = arith.constant 0 : i32
        %dma_wait3A_67 = tpu.memref_slice %arg11[%add3A_51, %dma_wait3A_66] : memref<10112x128xf32, #tpu.memory_space<vmem_shared>> -> memref<8x128xf32, #tpu.memory_space<vmem_shared>>
        %dma_wait3A_68 = arith.constant 0 : i32
        %dma_wait3A_69 = arith.constant 0 : i32
        %dma_wait3A_70 = tpu.memref_slice %arg9[%dma_wait3A_68, %dma_wait3A_69] : memref<128x128xf32, #tpu.memory_space<vmem>> -> memref<8x128xf32, #tpu.memory_space<vmem>>
        tpu.wait_dma2 semaphore(%run_scoped3A : memref<!tpu.dma_semaphore, #tpu.memory_space<semaphore_mem>>) src(%dma_wait3A_70 : memref<8x128xf32, #tpu.memory_space<vmem>>) dst(%dma_wait3A_67 : memref<8x128xf32, #tpu.memory_space<vmem_shared>>)
        tpu.yield
      }) : () -> ()
    }
    %scan3A_7 = arith.constant 79 : i32
    %barrier3A = arith.constant 0 : index
    tpu.barrier barrier_id(%barrier3A)
    %add3A_8 = arith.constant 0 : i32
    %add3A_9 = arith.addi %mul3A_2, %add3A_8 : i32
    "tpu.region"() ({
      %run_scoped3A = tpu.sem_alloc : memref<!tpu.dma_semaphore, #tpu.memory_space<semaphore_mem>>
      %dma_start3A_46 = arith.constant 0 : i32
      %dma_start3A_47 = tpu.memref_slice %arg3[%add3A_9, %dma_start3A_46] : memref<2560x128xi32, #tpu.memory_space<hbm>> -> memref<40x128xi32, #tpu.memory_space<hbm>>
      %dma_start3A_48 = arith.constant 0 : i32
      %dma_start3A_49 = tpu.memref_slice %arg3[%add3A_9, %dma_start3A_48] : memref<2560x128xi32, #tpu.memory_space<hbm>> -> memref<40x128xi32, #tpu.memory_space<hbm>>
      tpu.enqueue_dma source(%dma_start3A_49 : memref<40x128xi32, #tpu.memory_space<hbm>>) target(%arg7 : memref<40x128xi32, #tpu.memory_space<vmem>>) target_semaphore(%run_scoped3A : memref<!tpu.dma_semaphore, #tpu.memory_space<semaphore_mem>>)
      %dma_wait3A = arith.constant 0 : i32
      %dma_wait3A_50 = tpu.memref_slice %arg3[%add3A_9, %dma_wait3A] : memref<2560x128xi32, #tpu.memory_space<hbm>> -> memref<40x128xi32, #tpu.memory_space<hbm>>
      %dma_wait3A_51 = arith.constant 0 : i32
      %dma_wait3A_52 = tpu.memref_slice %arg3[%add3A_9, %dma_wait3A_51] : memref<2560x128xi32, #tpu.memory_space<hbm>> -> memref<40x128xi32, #tpu.memory_space<hbm>>
      tpu.wait_dma2 semaphore(%run_scoped3A : memref<!tpu.dma_semaphore, #tpu.memory_space<semaphore_mem>>) src(%dma_wait3A_52 : memref<40x128xi32, #tpu.memory_space<hbm>>) dst(%arg7 : memref<40x128xi32, #tpu.memory_space<vmem>>)
      tpu.yield
    }) : () -> ()
    %add3A_10 = arith.constant 0 : i32
    %add3A_11 = arith.addi %mul3A_2, %add3A_10 : i32
    "tpu.region"() ({
      %run_scoped3A = tpu.sem_alloc : memref<!tpu.dma_semaphore, #tpu.memory_space<semaphore_mem>>
      %dma_start3A_46 = arith.constant 0 : i32
      %dma_start3A_47 = tpu.memref_slice %arg4[%add3A_11, %dma_start3A_46] : memref<2560x128xi32, #tpu.memory_space<hbm>> -> memref<40x128xi32, #tpu.memory_space<hbm>>
      %dma_start3A_48 = arith.constant 0 : i32
      %dma_start3A_49 = tpu.memref_slice %arg4[%add3A_11, %dma_start3A_48] : memref<2560x128xi32, #tpu.memory_space<hbm>> -> memref<40x128xi32, #tpu.memory_space<hbm>>
      tpu.enqueue_dma source(%dma_start3A_49 : memref<40x128xi32, #tpu.memory_space<hbm>>) target(%arg8 : memref<40x128xi32, #tpu.memory_space<vmem>>) target_semaphore(%run_scoped3A : memref<!tpu.dma_semaphore, #tpu.memory_space<semaphore_mem>>)
      %dma_wait3A = arith.constant 0 : i32
      %dma_wait3A_50 = tpu.memref_slice %arg4[%add3A_11, %dma_wait3A] : memref<2560x128xi32, #tpu.memory_space<hbm>> -> memref<40x128xi32, #tpu.memory_space<hbm>>
      %dma_wait3A_51 = arith.constant 0 : i32
      %dma_wait3A_52 = tpu.memref_slice %arg4[%add3A_11, %dma_wait3A_51] : memref<2560x128xi32, #tpu.memory_space<hbm>> -> memref<40x128xi32, #tpu.memory_space<hbm>>
      tpu.wait_dma2 semaphore(%run_scoped3A : memref<!tpu.dma_semaphore, #tpu.memory_space<semaphore_mem>>) src(%dma_wait3A_52 : memref<40x128xi32, #tpu.memory_space<hbm>>) dst(%arg8 : memref<40x128xi32, #tpu.memory_space<vmem>>)
      tpu.yield
    }) : () -> ()
    %dma_start3A = arith.constant 0 : i32
    %dma_start3A_12 = arith.constant 0 : i32
    %dma_start3A_13 = tpu.memref_slice %arg7[%dma_start3A, %dma_start3A_12] : memref<40x128xi32, #tpu.memory_space<vmem>> -> memref<1x128xi32, #tpu.memory_space<vmem>>
    %dma_start3A_14 = tpu.memref_squeeze %dma_start3A_13 : memref<1x128xi32, #tpu.memory_space<vmem>> -> memref<128xi32, #tpu.memory_space<vmem>>
    %dma_start3A_15 = arith.constant 0 : i32
    %dma_start3A_16 = arith.constant 0 : i32
    %dma_start3A_17 = tpu.memref_slice %arg2[%dma_start3A_15, %dma_start3A_16] : memref<10000x128xf32, #tpu.memory_space<hbm>> -> memref<10000x128xf32, #tpu.memory_space<hbm>>
    tpu.enqueue_indirect_dma source(%dma_start3A_17 : memref<10000x128xf32, #tpu.memory_space<hbm>>) target(%arg9 : memref<128x128xf32, #tpu.memory_space<vmem>>) offsets(%dma_start3A_14 : memref<128xi32, #tpu.memory_space<vmem>>) semaphore(%arg12 : memref<!tpu.dma_semaphore, #tpu.memory_space<semaphore_mem>>)
    %scan3A_18 = arith.constant 0 : i32
    %scan3A_19 = arith.constant 0 : i32
    %scan3A_20 = arith.constant 40 : i32
    %scan3A_21 = arith.addi %scan3A_19, %scan3A_20 : i32
    %scan3A_22 = arith.constant 1 : i32
    scf.for %scan3A_46 = %scan3A_19 to %scan3A_21 step %scan3A_22  : i32 {
      %add3A_47 = arith.constant 1 : i32
      %add3A_48 = arith.addi %scan3A_46, %add3A_47 : i32
      %lt3A = arith.constant 40 : i32
      %lt3A_49 = arith.cmpi slt, %add3A_48, %lt3A : i32
      %convert_element_type3A = arith.extui %lt3A_49 : i1 to i32
      %cond3A = arith.constant 0 : i32
      %cond3A_50 = arith.cmpi ne, %convert_element_type3A, %cond3A : i32
      scf.if %cond3A_50 {
        %rem3A_63 = arith.constant 2 : i32
        %rem3A_64 = arith.remsi %scan3A_46, %rem3A_63 : i32
        %eq3A_65 = arith.constant 0 : i32
        %eq3A_66 = arith.cmpi eq, %rem3A_64, %eq3A_65 : i32
        %convert_element_type3A_67 = arith.extui %eq3A_66 : i1 to i32
        %cond3A_68 = arith.constant 0 : i32
        %cond3A_69 = arith.cmpi ne, %convert_element_type3A_67, %cond3A_68 : i32
        scf.if %cond3A_69 {
          %add3A_77 = arith.constant 1 : i32
          %add3A_78 = arith.addi %scan3A_46, %add3A_77 : i32
          %dma_start3A_79 = arith.constant 0 : i32
          %dma_start3A_80 = tpu.memref_slice %arg7[%add3A_78, %dma_start3A_79] : memref<40x128xi32, #tpu.memory_space<vmem>> -> memref<1x128xi32, #tpu.memory_space<vmem>>
          %dma_start3A_81 = tpu.memref_squeeze %dma_start3A_80 : memref<1x128xi32, #tpu.memory_space<vmem>> -> memref<128xi32, #tpu.memory_space<vmem>>
          %dma_start3A_82 = arith.constant 0 : i32
          %dma_start3A_83 = arith.constant 0 : i32
          %dma_start3A_84 = tpu.memref_slice %arg2[%dma_start3A_82, %dma_start3A_83] : memref<10000x128xf32, #tpu.memory_space<hbm>> -> memref<10000x128xf32, #tpu.memory_space<hbm>>
          tpu.enqueue_indirect_dma source(%dma_start3A_84 : memref<10000x128xf32, #tpu.memory_space<hbm>>) target(%arg10 : memref<128x128xf32, #tpu.memory_space<vmem>>) offsets(%dma_start3A_81 : memref<128xi32, #tpu.memory_space<vmem>>) semaphore(%arg13 : memref<!tpu.dma_semaphore, #tpu.memory_space<semaphore_mem>>)
        } else {
        }
        %rem3A_70 = arith.constant 2 : i32
        %rem3A_71 = arith.remsi %scan3A_46, %rem3A_70 : i32
        %eq3A_72 = arith.constant 1 : i32
        %eq3A_73 = arith.cmpi eq, %rem3A_71, %eq3A_72 : i32
        %convert_element_type3A_74 = arith.extui %eq3A_73 : i1 to i32
        %cond3A_75 = arith.constant 0 : i32
        %cond3A_76 = arith.cmpi ne, %convert_element_type3A_74, %cond3A_75 : i32
        scf.if %cond3A_76 {
          %add3A_77 = arith.constant 1 : i32
          %add3A_78 = arith.addi %scan3A_46, %add3A_77 : i32
          %dma_start3A_79 = arith.constant 0 : i32
          %dma_start3A_80 = tpu.memref_slice %arg7[%add3A_78, %dma_start3A_79] : memref<40x128xi32, #tpu.memory_space<vmem>> -> memref<1x128xi32, #tpu.memory_space<vmem>>
          %dma_start3A_81 = tpu.memref_squeeze %dma_start3A_80 : memref<1x128xi32, #tpu.memory_space<vmem>> -> memref<128xi32, #tpu.memory_space<vmem>>
          %dma_start3A_82 = arith.constant 0 : i32
          %dma_start3A_83 = arith.constant 0 : i32
          %dma_start3A_84 = tpu.memref_slice %arg2[%dma_start3A_82, %dma_start3A_83] : memref<10000x128xf32, #tpu.memory_space<hbm>> -> memref<10000x128xf32, #tpu.memory_space<hbm>>
          tpu.enqueue_indirect_dma source(%dma_start3A_84 : memref<10000x128xf32, #tpu.memory_space<hbm>>) target(%arg9 : memref<128x128xf32, #tpu.memory_space<vmem>>) offsets(%dma_start3A_81 : memref<128xi32, #tpu.memory_space<vmem>>) semaphore(%arg12 : memref<!tpu.dma_semaphore, #tpu.memory_space<semaphore_mem>>)
        } else {
        }
      } else {
      }
      %rem3A = arith.constant 2 : i32
      %rem3A_51 = arith.remsi %scan3A_46, %rem3A : i32
      %eq3A = arith.constant 0 : i32
      %eq3A_52 = arith.cmpi eq, %rem3A_51, %eq3A : i32
      %convert_element_type3A_53 = arith.extui %eq3A_52 : i1 to i32
      %cond3A_54 = arith.constant 0 : i32
      %cond3A_55 = arith.cmpi ne, %convert_element_type3A_53, %cond3A_54 : i32
      scf.if %cond3A_55 {
        %dma_wait3A = arith.constant 0 : i32
        %dma_wait3A_63 = tpu.memref_slice %arg7[%scan3A_46, %dma_wait3A] : memref<40x128xi32, #tpu.memory_space<vmem>> -> memref<1x128xi32, #tpu.memory_space<vmem>>
        %dma_wait3A_64 = tpu.memref_squeeze %dma_wait3A_63 : memref<1x128xi32, #tpu.memory_space<vmem>> -> memref<128xi32, #tpu.memory_space<vmem>>
        %dma_wait3A_65 = arith.constant 0 : i32
        %dma_wait3A_66 = arith.constant 0 : i32
        %dma_wait3A_67 = tpu.memref_slice %arg2[%dma_wait3A_65, %dma_wait3A_66] : memref<10000x128xf32, #tpu.memory_space<hbm>> -> memref<10000x128xf32, #tpu.memory_space<hbm>>
        tpu.wait_indirect_dma semaphore(%arg12 : memref<!tpu.dma_semaphore, #tpu.memory_space<semaphore_mem>>) src(%dma_wait3A_67 : memref<10000x128xf32, #tpu.memory_space<hbm>>) dst(%arg9 : memref<128x128xf32, #tpu.memory_space<vmem>>)
        "tpu.region"() ({
          %run_scoped3A = tpu.sem_alloc : memref<!tpu.dma_semaphore, #tpu.memory_space<semaphore_mem>>
          %dma_start3A_68 = arith.constant 0 : i32
          %dma_start3A_69 = tpu.memref_slice %arg8[%scan3A_46, %dma_start3A_68] : memref<40x128xi32, #tpu.memory_space<vmem>> -> memref<1x128xi32, #tpu.memory_space<vmem>>
          %dma_start3A_70 = tpu.memref_squeeze %dma_start3A_69 : memref<1x128xi32, #tpu.memory_space<vmem>> -> memref<128xi32, #tpu.memory_space<vmem>>
          %dma_start3A_71 = arith.constant 0 : i32
          %dma_start3A_72 = arith.constant 0 : i32
          %dma_start3A_73 = tpu.memref_slice %arg11[%dma_start3A_71, %dma_start3A_72] : memref<10112x128xf32, #tpu.memory_space<vmem_shared>> -> memref<10112x128xf32, #tpu.memory_space<vmem_shared>>
          tpu.enqueue_indirect_dma source(%arg9 : memref<128x128xf32, #tpu.memory_space<vmem>>) target(%dma_start3A_73 : memref<10112x128xf32, #tpu.memory_space<vmem_shared>>) offsets(%dma_start3A_70 : memref<128xi32, #tpu.memory_space<vmem>>) semaphore(%run_scoped3A : memref<!tpu.dma_semaphore, #tpu.memory_space<semaphore_mem>>) {add = true}
          %dma_wait3A_74 = arith.constant 0 : i32
          %dma_wait3A_75 = tpu.memref_slice %arg8[%scan3A_46, %dma_wait3A_74] : memref<40x128xi32, #tpu.memory_space<vmem>> -> memref<1x128xi32, #tpu.memory_space<vmem>>
          %dma_wait3A_76 = tpu.memref_squeeze %dma_wait3A_75 : memref<1x128xi32, #tpu.memory_space<vmem>> -> memref<128xi32, #tpu.memory_space<vmem>>
          %dma_wait3A_77 = arith.constant 0 : i32
          %dma_wait3A_78 = arith.constant 0 : i32
          %dma_wait3A_79 = tpu.memref_slice %arg11[%dma_wait3A_77, %dma_wait3A_78] : memref<10112x128xf32, #tpu.memory_space<vmem_shared>> -> memref<10112x128xf32, #tpu.memory_space<vmem_shared>>
          tpu.wait_indirect_dma semaphore(%run_scoped3A : memref<!tpu.dma_semaphore, #tpu.memory_space<semaphore_mem>>) src(%arg9 : memref<128x128xf32, #tpu.memory_space<vmem>>) dst(%dma_wait3A_79 : memref<10112x128xf32, #tpu.memory_space<vmem_shared>>)
          tpu.yield
        }) : () -> ()
      } else {
      }
      %rem3A_56 = arith.constant 2 : i32
      %rem3A_57 = arith.remsi %scan3A_46, %rem3A_56 : i32
      %eq3A_58 = arith.constant 1 : i32
      %eq3A_59 = arith.cmpi eq, %rem3A_57, %eq3A_58 : i32
      %convert_element_type3A_60 = arith.extui %eq3A_59 : i1 to i32
      %cond3A_61 = arith.constant 0 : i32
      %cond3A_62 = arith.cmpi ne, %convert_element_type3A_60, %cond3A_61 : i32
      scf.if %cond3A_62 {
        %dma_wait3A = arith.constant 0 : i32
        %dma_wait3A_63 = tpu.memref_slice %arg7[%scan3A_46, %dma_wait3A] : memref<40x128xi32, #tpu.memory_space<vmem>> -> memref<1x128xi32, #tpu.memory_space<vmem>>
        %dma_wait3A_64 = tpu.memref_squeeze %dma_wait3A_63 : memref<1x128xi32, #tpu.memory_space<vmem>> -> memref<128xi32, #tpu.memory_space<vmem>>
        %dma_wait3A_65 = arith.constant 0 : i32
        %dma_wait3A_66 = arith.constant 0 : i32
        %dma_wait3A_67 = tpu.memref_slice %arg2[%dma_wait3A_65, %dma_wait3A_66] : memref<10000x128xf32, #tpu.memory_space<hbm>> -> memref<10000x128xf32, #tpu.memory_space<hbm>>
        tpu.wait_indirect_dma semaphore(%arg13 : memref<!tpu.dma_semaphore, #tpu.memory_space<semaphore_mem>>) src(%dma_wait3A_67 : memref<10000x128xf32, #tpu.memory_space<hbm>>) dst(%arg10 : memref<128x128xf32, #tpu.memory_space<vmem>>)
        "tpu.region"() ({
          %run_scoped3A = tpu.sem_alloc : memref<!tpu.dma_semaphore, #tpu.memory_space<semaphore_mem>>
          %dma_start3A_68 = arith.constant 0 : i32
          %dma_start3A_69 = tpu.memref_slice %arg8[%scan3A_46, %dma_start3A_68] : memref<40x128xi32, #tpu.memory_space<vmem>> -> memref<1x128xi32, #tpu.memory_space<vmem>>
          %dma_start3A_70 = tpu.memref_squeeze %dma_start3A_69 : memref<1x128xi32, #tpu.memory_space<vmem>> -> memref<128xi32, #tpu.memory_space<vmem>>
          %dma_start3A_71 = arith.constant 0 : i32
          %dma_start3A_72 = arith.constant 0 : i32
          %dma_start3A_73 = tpu.memref_slice %arg11[%dma_start3A_71, %dma_start3A_72] : memref<10112x128xf32, #tpu.memory_space<vmem_shared>> -> memref<10112x128xf32, #tpu.memory_space<vmem_shared>>
          tpu.enqueue_indirect_dma source(%arg10 : memref<128x128xf32, #tpu.memory_space<vmem>>) target(%dma_start3A_73 : memref<10112x128xf32, #tpu.memory_space<vmem_shared>>) offsets(%dma_start3A_70 : memref<128xi32, #tpu.memory_space<vmem>>) semaphore(%run_scoped3A : memref<!tpu.dma_semaphore, #tpu.memory_space<semaphore_mem>>) {add = true}
          %dma_wait3A_74 = arith.constant 0 : i32
          %dma_wait3A_75 = tpu.memref_slice %arg8[%scan3A_46, %dma_wait3A_74] : memref<40x128xi32, #tpu.memory_space<vmem>> -> memref<1x128xi32, #tpu.memory_space<vmem>>
          %dma_wait3A_76 = tpu.memref_squeeze %dma_wait3A_75 : memref<1x128xi32, #tpu.memory_space<vmem>> -> memref<128xi32, #tpu.memory_space<vmem>>
          %dma_wait3A_77 = arith.constant 0 : i32
          %dma_wait3A_78 = arith.constant 0 : i32
          %dma_wait3A_79 = tpu.memref_slice %arg11[%dma_wait3A_77, %dma_wait3A_78] : memref<10112x128xf32, #tpu.memory_space<vmem_shared>> -> memref<10112x128xf32, #tpu.memory_space<vmem_shared>>
          tpu.wait_indirect_dma semaphore(%run_scoped3A : memref<!tpu.dma_semaphore, #tpu.memory_space<semaphore_mem>>) src(%arg10 : memref<128x128xf32, #tpu.memory_space<vmem>>) dst(%dma_wait3A_79 : memref<10112x128xf32, #tpu.memory_space<vmem_shared>>)
          tpu.yield
        }) : () -> ()
      } else {
      }
    }
    %scan3A_23 = arith.constant 40 : i32
    %add3A_24 = arith.constant 40 : i32
    %add3A_25 = arith.addi %mul3A_2, %add3A_24 : i32
    "tpu.region"() ({
      %run_scoped3A = tpu.sem_alloc : memref<!tpu.dma_semaphore, #tpu.memory_space<semaphore_mem>>
      %dma_start3A_46 = arith.constant 0 : i32
      %dma_start3A_47 = tpu.memref_slice %arg3[%add3A_25, %dma_start3A_46] : memref<2560x128xi32, #tpu.memory_space<hbm>> -> memref<40x128xi32, #tpu.memory_space<hbm>>
      %dma_start3A_48 = arith.constant 0 : i32
      %dma_start3A_49 = tpu.memref_slice %arg3[%add3A_25, %dma_start3A_48] : memref<2560x128xi32, #tpu.memory_space<hbm>> -> memref<40x128xi32, #tpu.memory_space<hbm>>
      tpu.enqueue_dma source(%dma_start3A_49 : memref<40x128xi32, #tpu.memory_space<hbm>>) target(%arg7 : memref<40x128xi32, #tpu.memory_space<vmem>>) target_semaphore(%run_scoped3A : memref<!tpu.dma_semaphore, #tpu.memory_space<semaphore_mem>>)
      %dma_wait3A = arith.constant 0 : i32
      %dma_wait3A_50 = tpu.memref_slice %arg3[%add3A_25, %dma_wait3A] : memref<2560x128xi32, #tpu.memory_space<hbm>> -> memref<40x128xi32, #tpu.memory_space<hbm>>
      %dma_wait3A_51 = arith.constant 0 : i32
      %dma_wait3A_52 = tpu.memref_slice %arg3[%add3A_25, %dma_wait3A_51] : memref<2560x128xi32, #tpu.memory_space<hbm>> -> memref<40x128xi32, #tpu.memory_space<hbm>>
      tpu.wait_dma2 semaphore(%run_scoped3A : memref<!tpu.dma_semaphore, #tpu.memory_space<semaphore_mem>>) src(%dma_wait3A_52 : memref<40x128xi32, #tpu.memory_space<hbm>>) dst(%arg7 : memref<40x128xi32, #tpu.memory_space<vmem>>)
      tpu.yield
    }) : () -> ()
    %add3A_26 = arith.constant 40 : i32
    %add3A_27 = arith.addi %mul3A_2, %add3A_26 : i32
    "tpu.region"() ({
      %run_scoped3A = tpu.sem_alloc : memref<!tpu.dma_semaphore, #tpu.memory_space<semaphore_mem>>
      %dma_start3A_46 = arith.constant 0 : i32
      %dma_start3A_47 = tpu.memref_slice %arg4[%add3A_27, %dma_start3A_46] : memref<2560x128xi32, #tpu.memory_space<hbm>> -> memref<40x128xi32, #tpu.memory_space<hbm>>
      %dma_start3A_48 = arith.constant 0 : i32
      %dma_start3A_49 = tpu.memref_slice %arg4[%add3A_27, %dma_start3A_48] : memref<2560x128xi32, #tpu.memory_space<hbm>> -> memref<40x128xi32, #tpu.memory_space<hbm>>
      tpu.enqueue_dma source(%dma_start3A_49 : memref<40x128xi32, #tpu.memory_space<hbm>>) target(%arg8 : memref<40x128xi32, #tpu.memory_space<vmem>>) target_semaphore(%run_scoped3A : memref<!tpu.dma_semaphore, #tpu.memory_space<semaphore_mem>>)
      %dma_wait3A = arith.constant 0 : i32
      %dma_wait3A_50 = tpu.memref_slice %arg4[%add3A_27, %dma_wait3A] : memref<2560x128xi32, #tpu.memory_space<hbm>> -> memref<40x128xi32, #tpu.memory_space<hbm>>
      %dma_wait3A_51 = arith.constant 0 : i32
      %dma_wait3A_52 = tpu.memref_slice %arg4[%add3A_27, %dma_wait3A_51] : memref<2560x128xi32, #tpu.memory_space<hbm>> -> memref<40x128xi32, #tpu.memory_space<hbm>>
      tpu.wait_dma2 semaphore(%run_scoped3A : memref<!tpu.dma_semaphore, #tpu.memory_space<semaphore_mem>>) src(%dma_wait3A_52 : memref<40x128xi32, #tpu.memory_space<hbm>>) dst(%arg8 : memref<40x128xi32, #tpu.memory_space<vmem>>)
      tpu.yield
    }) : () -> ()
    %dma_start3A_28 = arith.constant 0 : i32
    %dma_start3A_29 = arith.constant 0 : i32
    %dma_start3A_30 = tpu.memref_slice %arg7[%dma_start3A_28, %dma_start3A_29] : memref<40x128xi32, #tpu.memory_space<vmem>> -> memref<1x128xi32, #tpu.memory_space<vmem>>
    %dma_start3A_31 = tpu.memref_squeeze %dma_start3A_30 : memref<1x128xi32, #tpu.memory_space<vmem>> -> memref<128xi32, #tpu.memory_space<vmem>>
    %dma_start3A_32 = arith.constant 0 : i32
    %dma_start3A_33 = arith.constant 0 : i32
    %dma_start3A_34 = tpu.memref_slice %arg2[%dma_start3A_32, %dma_start3A_33] : memref<10000x128xf32, #tpu.memory_space<hbm>> -> memref<10000x128xf32, #tpu.memory_space<hbm>>
    tpu.enqueue_indirect_dma source(%dma_start3A_34 : memref<10000x128xf32, #tpu.memory_space<hbm>>) target(%arg9 : memref<128x128xf32, #tpu.memory_space<vmem>>) offsets(%dma_start3A_31 : memref<128xi32, #tpu.memory_space<vmem>>) semaphore(%arg12 : memref<!tpu.dma_semaphore, #tpu.memory_space<semaphore_mem>>)
    %scan3A_35 = arith.constant 0 : i32
    %scan3A_36 = arith.constant 0 : i32
    %scan3A_37 = arith.constant 39 : i32
    %scan3A_38 = arith.addi %scan3A_36, %scan3A_37 : i32
    %scan3A_39 = arith.constant 1 : i32
    scf.for %scan3A_46 = %scan3A_36 to %scan3A_38 step %scan3A_39  : i32 {
      %add3A_47 = arith.constant 1 : i32
      %add3A_48 = arith.addi %scan3A_46, %add3A_47 : i32
      %lt3A = arith.constant 39 : i32
      %lt3A_49 = arith.cmpi slt, %add3A_48, %lt3A : i32
      %convert_element_type3A = arith.extui %lt3A_49 : i1 to i32
      %cond3A = arith.constant 0 : i32
      %cond3A_50 = arith.cmpi ne, %convert_element_type3A, %cond3A : i32
      scf.if %cond3A_50 {
        %rem3A_63 = arith.constant 2 : i32
        %rem3A_64 = arith.remsi %scan3A_46, %rem3A_63 : i32
        %eq3A_65 = arith.constant 0 : i32
        %eq3A_66 = arith.cmpi eq, %rem3A_64, %eq3A_65 : i32
        %convert_element_type3A_67 = arith.extui %eq3A_66 : i1 to i32
        %cond3A_68 = arith.constant 0 : i32
        %cond3A_69 = arith.cmpi ne, %convert_element_type3A_67, %cond3A_68 : i32
        scf.if %cond3A_69 {
          %add3A_77 = arith.constant 1 : i32
          %add3A_78 = arith.addi %scan3A_46, %add3A_77 : i32
          %dma_start3A_79 = arith.constant 0 : i32
          %dma_start3A_80 = tpu.memref_slice %arg7[%add3A_78, %dma_start3A_79] : memref<40x128xi32, #tpu.memory_space<vmem>> -> memref<1x128xi32, #tpu.memory_space<vmem>>
          %dma_start3A_81 = tpu.memref_squeeze %dma_start3A_80 : memref<1x128xi32, #tpu.memory_space<vmem>> -> memref<128xi32, #tpu.memory_space<vmem>>
          %dma_start3A_82 = arith.constant 0 : i32
          %dma_start3A_83 = arith.constant 0 : i32
          %dma_start3A_84 = tpu.memref_slice %arg2[%dma_start3A_82, %dma_start3A_83] : memref<10000x128xf32, #tpu.memory_space<hbm>> -> memref<10000x128xf32, #tpu.memory_space<hbm>>
          tpu.enqueue_indirect_dma source(%dma_start3A_84 : memref<10000x128xf32, #tpu.memory_space<hbm>>) target(%arg10 : memref<128x128xf32, #tpu.memory_space<vmem>>) offsets(%dma_start3A_81 : memref<128xi32, #tpu.memory_space<vmem>>) semaphore(%arg13 : memref<!tpu.dma_semaphore, #tpu.memory_space<semaphore_mem>>)
        } else {
        }
        %rem3A_70 = arith.constant 2 : i32
        %rem3A_71 = arith.remsi %scan3A_46, %rem3A_70 : i32
        %eq3A_72 = arith.constant 1 : i32
        %eq3A_73 = arith.cmpi eq, %rem3A_71, %eq3A_72 : i32
        %convert_element_type3A_74 = arith.extui %eq3A_73 : i1 to i32
        %cond3A_75 = arith.constant 0 : i32
        %cond3A_76 = arith.cmpi ne, %convert_element_type3A_74, %cond3A_75 : i32
        scf.if %cond3A_76 {
          %add3A_77 = arith.constant 1 : i32
          %add3A_78 = arith.addi %scan3A_46, %add3A_77 : i32
          %dma_start3A_79 = arith.constant 0 : i32
          %dma_start3A_80 = tpu.memref_slice %arg7[%add3A_78, %dma_start3A_79] : memref<40x128xi32, #tpu.memory_space<vmem>> -> memref<1x128xi32, #tpu.memory_space<vmem>>
          %dma_start3A_81 = tpu.memref_squeeze %dma_start3A_80 : memref<1x128xi32, #tpu.memory_space<vmem>> -> memref<128xi32, #tpu.memory_space<vmem>>
          %dma_start3A_82 = arith.constant 0 : i32
          %dma_start3A_83 = arith.constant 0 : i32
          %dma_start3A_84 = tpu.memref_slice %arg2[%dma_start3A_82, %dma_start3A_83] : memref<10000x128xf32, #tpu.memory_space<hbm>> -> memref<10000x128xf32, #tpu.memory_space<hbm>>
          tpu.enqueue_indirect_dma source(%dma_start3A_84 : memref<10000x128xf32, #tpu.memory_space<hbm>>) target(%arg9 : memref<128x128xf32, #tpu.memory_space<vmem>>) offsets(%dma_start3A_81 : memref<128xi32, #tpu.memory_space<vmem>>) semaphore(%arg12 : memref<!tpu.dma_semaphore, #tpu.memory_space<semaphore_mem>>)
        } else {
        }
      } else {
      }
      %rem3A = arith.constant 2 : i32
      %rem3A_51 = arith.remsi %scan3A_46, %rem3A : i32
      %eq3A = arith.constant 0 : i32
      %eq3A_52 = arith.cmpi eq, %rem3A_51, %eq3A : i32
      %convert_element_type3A_53 = arith.extui %eq3A_52 : i1 to i32
      %cond3A_54 = arith.constant 0 : i32
      %cond3A_55 = arith.cmpi ne, %convert_element_type3A_53, %cond3A_54 : i32
      scf.if %cond3A_55 {
        %dma_wait3A = arith.constant 0 : i32
        %dma_wait3A_63 = tpu.memref_slice %arg7[%scan3A_46, %dma_wait3A] : memref<40x128xi32, #tpu.memory_space<vmem>> -> memref<1x128xi32, #tpu.memory_space<vmem>>
        %dma_wait3A_64 = tpu.memref_squeeze %dma_wait3A_63 : memref<1x128xi32, #tpu.memory_space<vmem>> -> memref<128xi32, #tpu.memory_space<vmem>>
        %dma_wait3A_65 = arith.constant 0 : i32
        %dma_wait3A_66 = arith.constant 0 : i32
        %dma_wait3A_67 = tpu.memref_slice %arg2[%dma_wait3A_65, %dma_wait3A_66] : memref<10000x128xf32, #tpu.memory_space<hbm>> -> memref<10000x128xf32, #tpu.memory_space<hbm>>
        tpu.wait_indirect_dma semaphore(%arg12 : memref<!tpu.dma_semaphore, #tpu.memory_space<semaphore_mem>>) src(%dma_wait3A_67 : memref<10000x128xf32, #tpu.memory_space<hbm>>) dst(%arg9 : memref<128x128xf32, #tpu.memory_space<vmem>>)
        "tpu.region"() ({
          %run_scoped3A = tpu.sem_alloc : memref<!tpu.dma_semaphore, #tpu.memory_space<semaphore_mem>>
          %dma_start3A_68 = arith.constant 0 : i32
          %dma_start3A_69 = tpu.memref_slice %arg8[%scan3A_46, %dma_start3A_68] : memref<40x128xi32, #tpu.memory_space<vmem>> -> memref<1x128xi32, #tpu.memory_space<vmem>>
          %dma_start3A_70 = tpu.memref_squeeze %dma_start3A_69 : memref<1x128xi32, #tpu.memory_space<vmem>> -> memref<128xi32, #tpu.memory_space<vmem>>
          %dma_start3A_71 = arith.constant 0 : i32
          %dma_start3A_72 = arith.constant 0 : i32
          %dma_start3A_73 = tpu.memref_slice %arg11[%dma_start3A_71, %dma_start3A_72] : memref<10112x128xf32, #tpu.memory_space<vmem_shared>> -> memref<10112x128xf32, #tpu.memory_space<vmem_shared>>
          tpu.enqueue_indirect_dma source(%arg9 : memref<128x128xf32, #tpu.memory_space<vmem>>) target(%dma_start3A_73 : memref<10112x128xf32, #tpu.memory_space<vmem_shared>>) offsets(%dma_start3A_70 : memref<128xi32, #tpu.memory_space<vmem>>) semaphore(%run_scoped3A : memref<!tpu.dma_semaphore, #tpu.memory_space<semaphore_mem>>) {add = true}
          %dma_wait3A_74 = arith.constant 0 : i32
          %dma_wait3A_75 = tpu.memref_slice %arg8[%scan3A_46, %dma_wait3A_74] : memref<40x128xi32, #tpu.memory_space<vmem>> -> memref<1x128xi32, #tpu.memory_space<vmem>>
          %dma_wait3A_76 = tpu.memref_squeeze %dma_wait3A_75 : memref<1x128xi32, #tpu.memory_space<vmem>> -> memref<128xi32, #tpu.memory_space<vmem>>
          %dma_wait3A_77 = arith.constant 0 : i32
          %dma_wait3A_78 = arith.constant 0 : i32
          %dma_wait3A_79 = tpu.memref_slice %arg11[%dma_wait3A_77, %dma_wait3A_78] : memref<10112x128xf32, #tpu.memory_space<vmem_shared>> -> memref<10112x128xf32, #tpu.memory_space<vmem_shared>>
          tpu.wait_indirect_dma semaphore(%run_scoped3A : memref<!tpu.dma_semaphore, #tpu.memory_space<semaphore_mem>>) src(%arg9 : memref<128x128xf32, #tpu.memory_space<vmem>>) dst(%dma_wait3A_79 : memref<10112x128xf32, #tpu.memory_space<vmem_shared>>)
          tpu.yield
        }) : () -> ()
      } else {
      }
      %rem3A_56 = arith.constant 2 : i32
      %rem3A_57 = arith.remsi %scan3A_46, %rem3A_56 : i32
      %eq3A_58 = arith.constant 1 : i32
      %eq3A_59 = arith.cmpi eq, %rem3A_57, %eq3A_58 : i32
      %convert_element_type3A_60 = arith.extui %eq3A_59 : i1 to i32
      %cond3A_61 = arith.constant 0 : i32
      %cond3A_62 = arith.cmpi ne, %convert_element_type3A_60, %cond3A_61 : i32
      scf.if %cond3A_62 {
        %dma_wait3A = arith.constant 0 : i32
        %dma_wait3A_63 = tpu.memref_slice %arg7[%scan3A_46, %dma_wait3A] : memref<40x128xi32, #tpu.memory_space<vmem>> -> memref<1x128xi32, #tpu.memory_space<vmem>>
        %dma_wait3A_64 = tpu.memref_squeeze %dma_wait3A_63 : memref<1x128xi32, #tpu.memory_space<vmem>> -> memref<128xi32, #tpu.memory_space<vmem>>
        %dma_wait3A_65 = arith.constant 0 : i32
        %dma_wait3A_66 = arith.constant 0 : i32
        %dma_wait3A_67 = tpu.memref_slice %arg2[%dma_wait3A_65, %dma_wait3A_66] : memref<10000x128xf32, #tpu.memory_space<hbm>> -> memref<10000x128xf32, #tpu.memory_space<hbm>>
        tpu.wait_indirect_dma semaphore(%arg13 : memref<!tpu.dma_semaphore, #tpu.memory_space<semaphore_mem>>) src(%dma_wait3A_67 : memref<10000x128xf32, #tpu.memory_space<hbm>>) dst(%arg10 : memref<128x128xf32, #tpu.memory_space<vmem>>)
        "tpu.region"() ({
          %run_scoped3A = tpu.sem_alloc : memref<!tpu.dma_semaphore, #tpu.memory_space<semaphore_mem>>
          %dma_start3A_68 = arith.constant 0 : i32
          %dma_start3A_69 = tpu.memref_slice %arg8[%scan3A_46, %dma_start3A_68] : memref<40x128xi32, #tpu.memory_space<vmem>> -> memref<1x128xi32, #tpu.memory_space<vmem>>
          %dma_start3A_70 = tpu.memref_squeeze %dma_start3A_69 : memref<1x128xi32, #tpu.memory_space<vmem>> -> memref<128xi32, #tpu.memory_space<vmem>>
          %dma_start3A_71 = arith.constant 0 : i32
          %dma_start3A_72 = arith.constant 0 : i32
          %dma_start3A_73 = tpu.memref_slice %arg11[%dma_start3A_71, %dma_start3A_72] : memref<10112x128xf32, #tpu.memory_space<vmem_shared>> -> memref<10112x128xf32, #tpu.memory_space<vmem_shared>>
          tpu.enqueue_indirect_dma source(%arg10 : memref<128x128xf32, #tpu.memory_space<vmem>>) target(%dma_start3A_73 : memref<10112x128xf32, #tpu.memory_space<vmem_shared>>) offsets(%dma_start3A_70 : memref<128xi32, #tpu.memory_space<vmem>>) semaphore(%run_scoped3A : memref<!tpu.dma_semaphore, #tpu.memory_space<semaphore_mem>>) {add = true}
          %dma_wait3A_74 = arith.constant 0 : i32
          %dma_wait3A_75 = tpu.memref_slice %arg8[%scan3A_46, %dma_wait3A_74] : memref<40x128xi32, #tpu.memory_space<vmem>> -> memref<1x128xi32, #tpu.memory_space<vmem>>
          %dma_wait3A_76 = tpu.memref_squeeze %dma_wait3A_75 : memref<1x128xi32, #tpu.memory_space<vmem>> -> memref<128xi32, #tpu.memory_space<vmem>>
          %dma_wait3A_77 = arith.constant 0 : i32
          %dma_wait3A_78 = arith.constant 0 : i32
          %dma_wait3A_79 = tpu.memref_slice %arg11[%dma_wait3A_77, %dma_wait3A_78] : memref<10112x128xf32, #tpu.memory_space<vmem_shared>> -> memref<10112x128xf32, #tpu.memory_space<vmem_shared>>
          tpu.wait_indirect_dma semaphore(%run_scoped3A : memref<!tpu.dma_semaphore, #tpu.memory_space<semaphore_mem>>) src(%arg10 : memref<128x128xf32, #tpu.memory_space<vmem>>) dst(%dma_wait3A_79 : memref<10112x128xf32, #tpu.memory_space<vmem_shared>>)
          tpu.yield
        }) : () -> ()
      } else {
      }
    }
    %scan3A_40 = arith.constant 39 : i32
    %barrier3A_41 = arith.constant 0 : index
    tpu.barrier barrier_id(%barrier3A_41)
    %mul3A_42 = arith.constant 632 : i32
    %mul3A_43 = arith.muli %arg1, %mul3A_42 : i32
    %mul3A_44 = arith.constant 632 : i32
    %mul3A_45 = arith.muli %arg1, %mul3A_44 : i32
    "tpu.region"() ({
      %run_scoped3A = tpu.sem_alloc : memref<!tpu.dma_semaphore, #tpu.memory_space<semaphore_mem>>
      %dma_start3A_46 = arith.constant 0 : i32
      %dma_start3A_47 = tpu.memref_slice %arg6[%arg0, %mul3A_45, %dma_start3A_46] : memref<2x10112x128xf32, #tpu.memory_space<hbm>> -> memref<1x632x128xf32, #tpu.memory_space<hbm>>
      %dma_start3A_48 = tpu.memref_squeeze %dma_start3A_47 : memref<1x632x128xf32, #tpu.memory_space<hbm>> -> memref<632x128xf32, #tpu.memory_space<hbm>>
      %dma_start3A_49 = arith.constant 0 : i32
      %dma_start3A_50 = tpu.memref_slice %arg11[%mul3A_43, %dma_start3A_49] : memref<10112x128xf32, #tpu.memory_space<vmem_shared>> -> memref<632x128xf32, #tpu.memory_space<vmem_shared>>
      tpu.enqueue_dma source(%dma_start3A_50 : memref<632x128xf32, #tpu.memory_space<vmem_shared>>) target(%dma_start3A_48 : memref<632x128xf32, #tpu.memory_space<hbm>>) target_semaphore(%run_scoped3A : memref<!tpu.dma_semaphore, #tpu.memory_space<semaphore_mem>>)
      %dma_wait3A = arith.constant 0 : i32
      %dma_wait3A_51 = tpu.memref_slice %arg6[%arg0, %mul3A_45, %dma_wait3A] : memref<2x10112x128xf32, #tpu.memory_space<hbm>> -> memref<1x632x128xf32, #tpu.memory_space<hbm>>
      %dma_wait3A_52 = tpu.memref_squeeze %dma_wait3A_51 : memref<1x632x128xf32, #tpu.memory_space<hbm>> -> memref<632x128xf32, #tpu.memory_space<hbm>>
      %dma_wait3A_53 = arith.constant 0 : i32
      %dma_wait3A_54 = tpu.memref_slice %arg11[%mul3A_43, %dma_wait3A_53] : memref<10112x128xf32, #tpu.memory_space<vmem_shared>> -> memref<632x128xf32, #tpu.memory_space<vmem_shared>>
      tpu.wait_dma2 semaphore(%run_scoped3A : memref<!tpu.dma_semaphore, #tpu.memory_space<semaphore_mem>>) src(%dma_wait3A_54 : memref<632x128xf32, #tpu.memory_space<vmem_shared>>) dst(%dma_wait3A_52 : memref<632x128xf32, #tpu.memory_space<hbm>>)
      tpu.yield
    }) : () -> ()
    return
  }
}

module attributes {stable_mosaic.version = 14 : i64} {
  func.func @body(%arg0: memref<2x10112x128xf32, #tpu.memory_space<vmem>>, %arg1: memref<2x10000x1xf32, #tpu.memory_space<vmem>>, %arg2: memref<10000x128xf32, #tpu.memory_space<vmem>>, %arg3: memref<128x128xf32, #tpu.memory_space<vmem>>, %arg4: memref<1x128xf32, #tpu.memory_space<vmem>>, %arg5: memref<128x128xf32, #tpu.memory_space<vmem>>, %arg6: memref<1x128xf32, #tpu.memory_space<vmem>>, %arg7: memref<1x128xf32, #tpu.memory_space<vmem>>, %arg8: memref<10000x128xf32, #tpu.memory_space<vmem>>) attributes {dimension_semantics = [], scalar_prefetch = 0 : i64, scratch_operands = 0 : i64, tpu.core_type = #tpu.core_type<tc>} {
    %get3A = arith.constant 0 : index
    %get3A_0 = arith.constant 0 : index
    %get3A_1 = arith.constant 0 : index
    %get3A_2 = vector.load %arg0[%get3A, %get3A_0, %get3A_1] : memref<2x10112x128xf32, #tpu.memory_space<vmem>>, vector<1x10112x128xf32>
    %get3A_3 = vector.shape_cast %get3A_2 : vector<1x10112x128xf32> to vector<10112x128xf32>
    %get3A_4 = arith.constant 1 : index
    %get3A_5 = arith.constant 0 : index
    %get3A_6 = arith.constant 0 : index
    %get3A_7 = vector.load %arg0[%get3A_4, %get3A_5, %get3A_6] : memref<2x10112x128xf32, #tpu.memory_space<vmem>>, vector<1x10112x128xf32>
    %get3A_8 = vector.shape_cast %get3A_7 : vector<1x10112x128xf32> to vector<10112x128xf32>
    %add3A = arith.addf %get3A_3, %get3A_8 : vector<10112x128xf32>
    %slice3A = vector.extract_strided_slice %add3A {offsets = [0, 0], sizes = [10000, 128], strides = [1, 1]} : vector<10112x128xf32> to vector<10000x128xf32>
    %get3A_9 = arith.constant 0 : index
    %get3A_10 = arith.constant 0 : index
    %get3A_11 = arith.constant 0 : index
    %get3A_12 = vector.load %arg1[%get3A_9, %get3A_10, %get3A_11] : memref<2x10000x1xf32, #tpu.memory_space<vmem>>, vector<1x10000x1xf32>
    %get3A_13 = vector.shape_cast %get3A_12 : vector<1x10000x1xf32> to vector<10000x1xf32>
    %get3A_14 = arith.constant 1 : index
    %get3A_15 = arith.constant 0 : index
    %get3A_16 = arith.constant 0 : index
    %get3A_17 = vector.load %arg1[%get3A_14, %get3A_15, %get3A_16] : memref<2x10000x1xf32, #tpu.memory_space<vmem>>, vector<1x10000x1xf32>
    %get3A_18 = vector.shape_cast %get3A_17 : vector<1x10000x1xf32> to vector<10000x1xf32>
    %add3A_19 = arith.addf %get3A_13, %get3A_18 : vector<10000x1xf32>
    %max3A = arith.constant 1.000000e+00 : f32
    %max3A_20 = vector.broadcast %max3A : f32 to vector<10000x1xf32>
    %max3A_21 = arith.maximumf %add3A_19, %max3A_20 : vector<10000x1xf32>
    %div3A = vector.broadcast %max3A_21 : vector<10000x1xf32> to vector<10000x128xf32>
    %div3A_22 = arith.divf %slice3A, %div3A : vector<10000x128xf32>
    %get3A_23 = arith.constant 0 : index
    %get3A_24 = arith.constant 0 : index
    %get3A_25 = vector.load %arg2[%get3A_23, %get3A_24] : memref<10000x128xf32, #tpu.memory_space<vmem>>, vector<10000x128xf32>
    %get3A_26 = arith.constant 0 : index
    %get3A_27 = arith.constant 0 : index
    %get3A_28 = vector.load %arg3[%get3A_26, %get3A_27] : memref<128x128xf32, #tpu.memory_space<vmem>>, vector<128x128xf32>
    %dot_general3A = arith.constant dense<0.000000e+00> : vector<10000x128xf32>
    %dot_general3A_29 = tpu.matmul %div3A_22, %get3A_28, %dot_general3A {dimension_numbers = #tpu.dot_dimension_numbers<[1], [1], [0], [0], [0, 0, 1, 0], [], []>, transpose_lhs_hint = false} : vector<10000x128xf32>, vector<128x128xf32>, vector<10000x128xf32> -> vector<10000x128xf32>
    %get3A_30 = arith.constant 0 : index
    %get3A_31 = arith.constant 0 : index
    %get3A_32 = vector.load %arg4[%get3A_30, %get3A_31] : memref<1x128xf32, #tpu.memory_space<vmem>>, vector<1x128xf32>
    %add3A_33 = vector.broadcast %get3A_32 : vector<1x128xf32> to vector<10000x128xf32>
    %add3A_34 = arith.addf %dot_general3A_29, %add3A_33 : vector<10000x128xf32>
    %get3A_35 = arith.constant 0 : index
    %get3A_36 = arith.constant 0 : index
    %get3A_37 = vector.load %arg5[%get3A_35, %get3A_36] : memref<128x128xf32, #tpu.memory_space<vmem>>, vector<128x128xf32>
    %dot_general3A_38 = arith.constant dense<0.000000e+00> : vector<10000x128xf32>
    %dot_general3A_39 = tpu.matmul %get3A_25, %get3A_37, %dot_general3A_38 {dimension_numbers = #tpu.dot_dimension_numbers<[1], [1], [0], [0], [0, 0, 1, 0], [], []>, transpose_lhs_hint = false} : vector<10000x128xf32>, vector<128x128xf32>, vector<10000x128xf32> -> vector<10000x128xf32>
    %add3A_40 = arith.addf %add3A_34, %dot_general3A_39 : vector<10000x128xf32>
    %reduce_sum3A = arith.constant dense<0.000000e+00> : vector<128xf32>
    %reduce_sum3A_41 = vector.multi_reduction <add>, %add3A_40, %reduce_sum3A [0] : vector<10000x128xf32> to vector<128xf32>
    %broadcast_in_dim3A = vector.shape_cast %reduce_sum3A_41 : vector<128xf32> to vector<1x128xf32>
    %div3A_42 = arith.constant 1.000000e+04 : f32
    %div3A_43 = vector.broadcast %div3A_42 : f32 to vector<1x128xf32>
    %div3A_44 = arith.divf %broadcast_in_dim3A, %div3A_43 : vector<1x128xf32>
    %sub3A = vector.broadcast %div3A_44 : vector<1x128xf32> to vector<10000x128xf32>
    %sub3A_45 = arith.subf %add3A_40, %sub3A : vector<10000x128xf32>
    %integer_pow3A = arith.mulf %sub3A_45, %sub3A_45 : vector<10000x128xf32>
    %reduce_sum3A_46 = arith.constant dense<0.000000e+00> : vector<128xf32>
    %reduce_sum3A_47 = vector.multi_reduction <add>, %integer_pow3A, %reduce_sum3A_46 [0] : vector<10000x128xf32> to vector<128xf32>
    %broadcast_in_dim3A_48 = vector.shape_cast %reduce_sum3A_47 : vector<128xf32> to vector<1x128xf32>
    %div3A_49 = arith.constant 1.000000e+04 : f32
    %div3A_50 = vector.broadcast %div3A_49 : f32 to vector<1x128xf32>
    %div3A_51 = arith.divf %broadcast_in_dim3A_48, %div3A_50 : vector<1x128xf32>
    %sub3A_52 = vector.broadcast %div3A_44 : vector<1x128xf32> to vector<10000x128xf32>
    %sub3A_53 = arith.subf %add3A_40, %sub3A_52 : vector<10000x128xf32>
    %add3A_54 = arith.constant 9.99999974E-6 : f32
    %add3A_55 = vector.broadcast %add3A_54 : f32 to vector<1x128xf32>
    %add3A_56 = arith.addf %div3A_51, %add3A_55 : vector<1x128xf32>
    %rsqrt3A = math.rsqrt %add3A_56 : vector<1x128xf32>
    %mul3A = vector.broadcast %rsqrt3A : vector<1x128xf32> to vector<10000x128xf32>
    %mul3A_57 = arith.mulf %sub3A_53, %mul3A : vector<10000x128xf32>
    %get3A_58 = arith.constant 0 : index
    %get3A_59 = arith.constant 0 : index
    %get3A_60 = vector.load %arg6[%get3A_58, %get3A_59] : memref<1x128xf32, #tpu.memory_space<vmem>>, vector<1x128xf32>
    %mul3A_61 = vector.broadcast %get3A_60 : vector<1x128xf32> to vector<10000x128xf32>
    %mul3A_62 = arith.mulf %mul3A_57, %mul3A_61 : vector<10000x128xf32>
    %get3A_63 = arith.constant 0 : index
    %get3A_64 = arith.constant 0 : index
    %get3A_65 = vector.load %arg7[%get3A_63, %get3A_64] : memref<1x128xf32, #tpu.memory_space<vmem>>, vector<1x128xf32>
    %add3A_66 = vector.broadcast %get3A_65 : vector<1x128xf32> to vector<10000x128xf32>
    %add3A_67 = arith.addf %mul3A_62, %add3A_66 : vector<10000x128xf32>
    %ge3A = arith.constant 0.000000e+00 : f32
    %ge3A_68 = vector.broadcast %ge3A : f32 to vector<10000x128xf32>
    %ge3A_69 = arith.cmpf oge, %add3A_67, %ge3A_68 : vector<10000x128xf32>
    %mul3A_70 = arith.constant 0.00999999977 : f32
    %mul3A_71 = vector.broadcast %mul3A_70 : f32 to vector<10000x128xf32>
    %mul3A_72 = arith.mulf %mul3A_71, %add3A_67 : vector<10000x128xf32>
    %select_n3A = arith.select %ge3A_69, %add3A_67, %mul3A_72 : vector<10000x128xi1>, vector<10000x128xf32>
    %add3A_73 = arith.addf %select_n3A, %get3A_25 : vector<10000x128xf32>
    %swap3A = arith.constant 0 : index
    %swap3A_74 = arith.constant 0 : index
    %swap3A_75 = vector.load %arg8[%swap3A, %swap3A_74] : memref<10000x128xf32, #tpu.memory_space<vmem>>, vector<10000x128xf32>
    tpu.vector_store %arg8[%swap3A, %swap3A_74], %add3A_73 {strides = array<i32>} : memref<10000x128xf32, #tpu.memory_space<vmem>>, vector<10000x128xf32>,
    return
  }
}

</mosaic_0001>

<sc_bundles>
// kernel: kernel.5.cloned.1.call-start
scs
__scs_entry_jumppad:
0x0: {  	(pc) =	sbr.rel $0x88, $3  }
0x1: {  	(tag) =	ssettag $0x0;
	lr =	simm.s32 $0x1  }
0x2: {  	[smem:$0x3F9A] =	sst lr;
	_ =	strace $0xD0000000  }
0x3: {  	_ = 	snop  }
0x4: {  	_ = 	snop  }
0x5: {  	_ = 	snop  }
0x6: {  	_ = 	snop  }
0x7: {  	_ = 	snop  }
__scs_overlays_trampoline_lowered:
0x8: {  	[smem:$0x3FA9] =	sst s0  }
0x9: {  	[smem:$0x3FAA] =	sst s1  }
0xa: {  	[smem:$0x3FAB] =	sst s2  }
0xb: {  	[smem:$0x3FAC] =	sst s3  }
0xc: {  	[smem:$0x3FAD] =	sst s4  }
0xd: {  	[smem:$0x3FAE] =	sst s5  }
0xe: {  	[smem:$0x3FAF] =	sst s6  }
0xf: {  	[smem:$0x3FB0] =	sst s7  }
0x10: {  	[smem:$0x3FB1] =	sst s8  }
0x11: {  	[smem:$0x3FB2] =	sst s9;
	s0 =	simm.s32 @!p0 $0x0  }
0x12: {  	s1 =	sld [smem:$0x3F98];
	s0 =	simm.s32 @p0 $0x1  }
0x13: {  	[smem:$0x3FB3] =	sst s0;
	s0 =	simm.s32 @!p1 $0x0  }
0x14: {  	s2 =	sld [smem:$0x3F97];
	s0 =	simm.s32 @p1 $0x1  }
0x15: {  	[smem:$0x3FB4] =	sst s0;
	s0 =	simm.s32 @!p2 $0x0  }
0x16: {  	s3 =	sld [smem:$0x3FDB];
	s0 =	simm.s32 @p2 $0x1  }
0x17: {  	s4 =	simm.s32 $0x1BF5;
	[smem:$0x3FB6] =	sst s0  }
0x18: {  	s0 =	sld [smem:$0x3F99];
	_ =	swait.ge [sflag:s4], $0x0  }
0x19: {  	s7 =	sld [smem:$0x3F9A]  }
0x1a: {  	s8 =	sadd.s32 $0xFFFFE003, lr  }
0x1b: {  	s9 =	sadd.s32 $0xFFFFFEF7, lr;
	s5 =	simm.s32 $0xFFFFFFFF;
	p2 =	slt.u32 s8, $0xFFFFF086  }
0x1c: {  	p1 =	slt.u32 s9, $0xF7A;
	s5 =	simm.s32 @!p2 $0x0  }
0x1d: {  	s5 =	simm.s32 @p1 $0x1;
	p0 =	seq.s32 s7, s2  }
0x1e: {  	s7 =	smul.u32 @!p0 $0xF7A, s2;
	p2 =	seq.s32 @!p0 s5, $0x0  }
0x1f: {  	s9 =	smul.u32 $0xF7A, s1;
	s8 =	simm.s32 @!p0 $0x1BF5;
	p2 =	por !p2, p0  }
0x20: {  	[sflag:s8] =	ssyncset.s32 @!p0 $0xFFFFF086;
	s6 =	sadd.s32 @!p0 s3, s7;
	s7 =	simm.s32 @!p0 $0x108  }
0x21: {  	s3 =	sadd.s32 s3, s9;
	s6 =	sadd.s32 @!p0 $0x88, s6;
	s7 =	simm.s32 @p2 $0x1082  }
0x22: {  	[simem:s7], [sflag:s8] =	dma.local @!p0 [hbm:s6], $0xF7A  }
0x23: {  	s9 =	sor.u32 $0xD0000000, s2;
	s6 =	simm.s32 $0x108;
	_ =	swait.ge @!p0 [sflag:s8], $0x0  }
0x24: {  	s3 =	sadd.s32 $0x88, s3;
	s6 =	simm.s32 @!p1 $0x1082;
	[sflag:s4] =	ssyncset.s32 $0xFFFFF086  }
0x25: {  	[simem:s6], [sflag:s4] =	dma.local [hbm:s3], $0xF7A  }
0x26: {  	[smem:$0x3F9A] =	sst s1;
	(tag) =	ssettag s2;
	_ =	strace s9  }
0x27: {  	s1 =	sld [smem:$0x3FAA]  }
0x28: {  	s2 =	sld [smem:$0x3FAB]  }
0x29: {  	s4 =	sld [smem:$0x3FAD]  }
0x2a: {  	p0 =	seq.s32 s5, $0x0;
	s5 =	sld [smem:$0x3FAE]  }
0x2b: {  	s6 =	sld [smem:$0x3FAF]  }
0x2c: {  	s7 =	sld [smem:$0x3FB0]  }
0x2d: {  	s3 =	simm.s32 $0x108;
	s8 =	sld [smem:$0x3FB1]  }
0x2e: {  	s3 =	simm.s32 @!p0 $0x1082;
	s9 =	sld [smem:$0x3FB2]  }
0x2f: {  	lr =	sadd.s32 s0, s3;
	s0 =	sld [smem:$0x3FA9]  }
0x30: {  	s3 =	sld [smem:$0x3FAC]  }
0x31: {  	[smem:$0x3FB5] =	sst s10  }
0x32: {  	s10 =	sld [smem:$0x3FB3];
	_ =	sdelay $0x3  }
0x33: {  	p0 =	seq.s32 s10, $0x1;
	s10 =	sld [smem:$0x3FB5];
	_ =	sdelay $0x3  }
0x34: {  	[smem:$0x3FB5] =	sst s10  }
0x35: {  	s10 =	sld [smem:$0x3FB4];
	_ =	sdelay $0x3  }
0x36: {  	p1 =	seq.s32 s10, $0x1;
	s10 =	sld [smem:$0x3FB5];
	_ =	sdelay $0x3  }
0x37: {  	[smem:$0x3FB5] =	sst s10  }
0x38: {  	s10 =	sld [smem:$0x3FB6]  }
0x39: {  	_ = 	snop;
	(pc) =	sbr.ind lr, $3  }
0x3a: {  	_ = 	snop  }
0x3b: {  	_ = 	snop  }
0x3c: {  	p2 =	seq.s32 s10, $0x1;
	s10 =	sld [smem:$0x3FB5]  }
0x3d: {  	_ =	shalt  }
0x3e: {  	_ =	shalt  }
0x3f: {  	_ =	shalt  }
0x40: {  	_ =	shalt  }
0x41: {  	_ =	shalt  }
0x42: {  	_ =	shalt  }
0x43: {  	_ =	shalt  }
0x44: {  	_ =	shalt  }
0x45: {  	_ =	shalt  }
0x46: {  	_ =	shalt  }
0x47: {  	_ =	shalt  }
0x48: {  	_ =	shalt  }
0x49: {  	_ =	shalt  }
0x4a: {  	_ =	shalt  }
0x4b: {  	_ =	shalt  }
0x4c: {  	_ =	shalt  }
0x4d: {  	_ =	shalt  }
0x4e: {  	_ =	shalt  }
0x4f: {  	_ =	shalt  }
0x50: {  	_ =	shalt  }
0x51: {  	_ =	shalt  }
0x52: {  	_ =	shalt  }
0x53: {  	_ =	shalt  }
0x54: {  	_ =	shalt  }
0x55: {  	_ =	shalt  }
0x56: {  	_ =	shalt  }
0x57: {  	_ =	shalt  }
0x58: {  	_ =	shalt  }
0x59: {  	_ =	shalt  }
0x5a: {  	_ =	shalt  }
0x5b: {  	_ =	shalt  }
0x5c: {  	_ =	shalt  }
0x5d: {  	_ =	shalt  }
0x5e: {  	_ =	shalt  }
0x5f: {  	_ =	shalt  }
0x60: {  	_ =	shalt  }
0x61: {  	_ =	shalt  }
0x62: {  	_ =	shalt  }
0x63: {  	_ =	shalt  }
0x64: {  	_ =	shalt  }
0x65: {  	_ =	shalt  }
0x66: {  	_ =	shalt  }
0x67: {  	_ =	shalt  }
0x68: {  	_ =	shalt  }
0x69: {  	_ =	shalt  }
0x6a: {  	_ =	shalt  }
0x6b: {  	_ =	shalt  }
0x6c: {  	_ =	shalt  }
0x6d: {  	_ =	shalt  }
0x6e: {  	_ =	shalt  }
0x6f: {  	_ =	shalt  }
0x70: {  	_ =	shalt  }
0x71: {  	_ =	shalt  }
0x72: {  	_ =	shalt  }
0x73: {  	_ =	shalt  }
0x74: {  	_ =	shalt  }
0x75: {  	_ =	shalt  }
0x76: {  	_ =	shalt  }
0x77: {  	_ =	shalt  }
0x78: {  	_ =	shalt  }
0x79: {  	_ =	shalt  }
0x7a: {  	_ =	shalt  }
0x7b: {  	_ =	shalt  }
0x7c: {  	_ =	shalt  }
0x7d: {  	_ =	shalt  }
0x7e: {  	_ =	shalt  }
0x7f: {  	_ =	shalt  }
0x80: {  	_ =	shalt  }
0x81: {  	_ =	shalt  }
0x82: {  	_ =	shalt  }
0x83: {  	_ =	shalt  }
0x84: {  	_ =	shalt  }
0x85: {  	_ =	shalt  }
0x86: {  	_ =	shalt  }
0x87: {  	_ =	shalt  }
.Lfunc_end0:
.L_simem_size_0:
called_computation_lowered:
.L_overlay_start_0:
0x88: {  	s2 =	sld [smem:$0x3FD9]  }
0x89: {  	s3 =	sld [smem:$0x3FFE];
	_ =	sdelay $0x1  }
0x8a: {  	s1 =	srdreg.scid  }
0x8b: {  	s0 =	sand.u32 $0x1, s1  }
0x8c: {  	s17 =	sshll.u32 s0, $0xA;
	s2 =	sadd.s32 s3, s2  }
0x8d: {  	s2 =	sadd.s32 s2, s17  }
0x8e: {  	[smem:$0x3FC1] =	sst s2  }
0x8f: {  	_ = 	snop  }
0x90: {  	s18 =	sld [smem:$0x3FC9]  }
0x91: {  	s4 =	sld [smem:$0x3FD0];
	(tm) =	ssettm $0x1  }
0x92: {  	s19 =	sld [smem:$0x3FFB];
	_ =	sdelay $0x3  }
0x93: {  	_ =	strace s19  }
0x94: {  	s2 =	sld [smem:$0x3FFC];
	_ =	sdelay $0x3  }
0x95: {  	_ =	strace s2  }
0x96: {  	s2 =	sld [smem:$0x3FFD];
	_ =	sdelay $0x3  }
0x97: {  	_ =	strace s2  }
0x98: {  	_ =	strace $0x8FFFFFFF  }
0x99: {  	s20 =	sld [smem:$0x3FDB];
	_ =	sdelay $0x1  }
0x9a: {  	s5 =	simm.s32 $_scs_section_size  }
0x9b: {  	s6 =	simm.s32 $_size__tile_overlayer_lowered;
	s7 =	simm.s32 $_tile_overlayer_lowered  }
0x9c: {  	s8 =	simm.s32 $0x1BFF;
	s21 =	sshll.u32 s7, $0x1;
	s5 =	sadd.s32 s5, s20  }
0x9d: {  	s22 =	simm.s32 $0x0;
	s6 =	sshll.u32 s6, $0x1;
	s7 =	sadd.s32 s21, s5  }
0x9e: {  	[timem:s22], [sflag:s8] =	dma.local [hbm:s7], s6  }
0x9f: {  	_ =	swait.ge [sflag:s8], s6  }
0xa0: {  	s6 =	ssub.s32 $0x0, s6;
	[sflag:s8] =	ssyncset.done $0x0  }
0xa1: {  	[sflag:s8] =	ssyncadd.s32 s6;
	_ =	sdelay $0x1  }
0xa2: {  	s23 =	simm.s32 $0x1B8B  }
0xa3: {  	_ =	swait.ge [sflag:s23], $0x1  }
0xa4: {  	[sflag:s23] =	ssyncset.done $0x0  }
0xa5: {  	[sflag:s23] =	ssyncadd.s32 $0xFFFFFFFF  }
0xa6: {  	s6 =	sld [smem:$0x0]  }
0xa7: {  	s7 =	sand.u32 $0xFFFFFFFE, s1  }
0xa8: {  	p0 =	sne.s32 s1, s7  }
0xa9: {  	s7 =	sshll.u32 @p0 s7, $0xE  }
0xaa: {  	s7 =	sadd.s32 @p0 $0x11B8D, s7;
	s8 =	sshll.u32 @p0 s6, $0x11  }
0xab: {  	s7 =	sor.u32 @p0 s8, s7  }
0xac: {  	[sflag:s7] =	ssyncadd.remote.s32 @p0 $0x1;
	_ =	sdelay $0x1  }
0xad: {  	s7 =	simm.s32 @p0 $0x1B8D  }
0xae: {  	_ =	swait.eq @p0 [sflag:s7], $0x1  }
0xaf: {  	[sflag:s7] =	ssyncadd.s32 @p0 $0xFFFFFFFF  }
0xb0: {  	s8 =	sshll.u32 @!p0 s1, $0xE  }
0xb1: {  	s8 =	sor.u32 @!p0 $0x4000, s8;
	s7 =	simm.s32 @!p0 $0x1B8D  }
0xb2: {  	s6 =	sshll.u32 @!p0 s6, $0x11;
	s8 =	sadd.s32 @!p0 $0x11B8D, s8;
	_ =	swait.eq @!p0 [sflag:s7], $0x1  }
0xb3: {  	s6 =	sor.u32 @!p0 s6, s8;
	[sflag:s7] =	ssyncadd.s32 @!p0 $0xFFFFFFFF  }
0xb4: {  	s25 =	simm.s32 $0x1B8E;
	s24 =	sld [smem:$0x3FFE];
	[sflag:s6] =	ssyncadd.remote.s32 @!p0 $0x1  }
0xb5: {  	s26 =	simm.s32 $execute0_lowered;
	[smem:$0x3FD2] =	sst s25  }
0xb6: {  	s7 =	sshll.u32 s26, $0x1;
	_ =	strace $0x80000049;
	[dreg:$0x1] =	wrdreg $0xFFFFFFFF  }
0xb7: {  	s28 =	simm.s32 $_size_execute0_lowered;
	s5 =	sadd.s32 s5, s7;
	[dreg:$0x0] =	wrdreg $0x0  }
0xb8: {  	s7 =	sshll.u32 s28, $0x1;
	[dreg:$0x2] =	wrdreg s5  }
0xb9: {  	[dreg:$0x3] =	wrdreg s7  }
0xba: {  	[dreg:$0x4] =	wrdreg $0xC0  }
0xbb: {  	_ =	task [dreg:s22], $0x5FFFF  }
0xbc: {  	[dreg:$0x1] =	wrdreg $0xFFFFFFFF  }
0xbd: {  	[dreg:$0x0] =	wrdreg $0x60  }
0xbe: {  	[dreg:$0x2] =	wrdreg s18  }
0xbf: {  	[dreg:$0x3] =	wrdreg s4  }
0xc0: {  	[dreg:$0x4] =	wrdreg s24  }
0xc1: {  	[dreg:$0x5] =	wrdreg $0xA8000  }
0xc2: {  	[dreg:$0x6] =	wrdreg $0x9  }
0xc3: {  	_ =	task.clear_ibuf [dreg:s22], $0x7FFFF;
	_ =	strace $0x90000049  }
0xc4: {  	s29 =	simm.s32 $0x9;
	_ =	strace $0x8000004B  }
0xc5: {  	_ =	swait.ge [sflag:s29], $0x1  }
0xc6: {  	[sflag:s29] =	ssyncadd.s32 $0xFFFFFFFF  }
0xc7: {  	_ =	strace $0x9000004B  }
0xc8: {  	_ =	sfence  }
0xc9: {  	s30 =	sld [smem:$0x0];
	_ =	sdelay $0x2  }
0xca: {  	s31 =	sshll.u32 s1, $0xD;
	s1 =	sshrl.u32 s1, $0x2  }
0xcb: {  	s4 =	sand.u32 $0x4000, s31;
	s1 =	sadd.s32 s1, s30  }
0xcc: {  	s0 =	sor.u32 s4, s0;
	s1 =	sshll.u32 s1, $0x11  }
0xcd: {  	s0 =	sor.u32 s1, s0  }
0xce: {  	s0 =	sadd.s32 $0x8F2B, s0  }
0xcf: {  	[sflag:s0] =	ssyncadd.remote.s32 $0x1  }
0xd0: {  	_ =	sfence.sel $0xFFFF  }
0xd1: {  	[dreg:$0x0] =	wrdreg $0xFFFFFFFF;
	(pc) =	sbr.abs _section_cstart, $3  }
0xd2: {  	[dreg:$0x1] =	wrdreg $0xFFFFFFFF  }
0xd3: {  	_ =	task.clear_ibuf [dreg:s22], $0x2FFFF;
	_ =	strace $0x9FFFFFFF  }
0xd4: {  	(tm) =	ssettm $0x7FFFFFFF  }
0xd5: {  	_ =	shalt  }
tec
execute0_lowered:
.L_overlay_start_1:
0x0: {  	(tag) =	ssettag $0x1  }
0x1: {  	s1 =	rddreg [dreg:$0x0]  }
0x2: {  	s9 =	rddreg [dreg:$0x1]  }
0x3: {  	s6 =	rddreg [dreg:$0x2]  }
0x4: {  	s2 =	rddreg [dreg:$0x3];
	s4 =	simm.s32 $0x0;
	s3 =	srdreg.scid  }
0x5: {  	s16 =	simm.s32 $0x2780;
	s17 =	simm.s32 $0x6800;
	s18 =	simm.s32 $0x1  }
0x6: {  	s19 =	simm.s32 $0x80;
	s20 =	simm.s32 $0x2700;
	s21 =	simm.s32 $0x4  }
0x7: {  	s22 =	simm.s32 $0x0;
	[smem:$0x7FF] =	sst s4;
	s7 =	sand.u32 $0x1, s3  }
0x8: {  	s3 =	stileid.u32;
	s11 =	sadd.s32 $0x1200, s6;
	s8 =	smul.u32 $0x13C000, s7  }
0x9: {  	s5 =	sadd.s32 $0xB200, s6;
	s10 =	smul.u32 $0x13C00, s3;
	s12 =	sshll.u32 s7, $0x4  }
0xa: {  	s26 =	smul.u32 $0x4F000, s3;
	s7 =	ssub.s32 $0x2, s7;
	s25 =	sor.u32 s3, s12  }
0xb: {  	_ =	strace $0x8000004A;
	s28 =	sshrl.u32 s7, $0x1;
	s13 =	smul.u32 $0x2800, s25  }
0xc: {  	s8 =	sadd.s32 s10, s8;
	s29 =	smul.u32 $0x500, s25;
	s15 =	ssub.s32 s7, s28  }
0xd: {  	s30 =	sshrl.u32 s26, $0x2;
	s8 =	sshrl.u32 s8, $0x3;
	s12 =	smax.u32 s15, $0x1  }
0xe: {  	s15 =	simm.s32 $0x2;
	s14 =	sadd.s32 s8, s6;
	s31 =	sshrl.u32 s13, $0x3  }
0xf: {  	s6 =	sadd.s32 s30, s2;
	s7 =	sadd.s32 s9, s29;
	s10 =	sadd.s32 $0x280, s31  }
0x10: {  	s8 =	sadd.s32 s11, s29;
	s13 =	simm.s32 $0x2800;
	s9 =	sadd.s32 s9, s10  }
0x11: {  	s10 =	sadd.s32 s11, s10;
	s11 =	sadd.s32 $0xBE00, s14;
	s14 =	simm.s32 $0x3  }
.LBB2_1:
0x12: {  	[tilespmem:s13], [sflag:$0x3] =	stream.linear.gather [hbm4b:s5+s4], $0x400, $0x38;
	[tilespmem:$0x1E400] =	vst v63  }
0x13: {  	_ =	swait.ge [sflag:s14], $0x400  }
0x14: {  	[sflag:s14] =	ssyncset.done $0x0  }
0x15: {  	s23 =	sadd.s32 $0x0, s6;
	[sflag:s14] =	ssyncadd.s32 $0xFFFFFC00  }
0x16: {  	[spmem:s23] =	stream.linear.scatter [tilespmem:s13], [sflag:$0x3], $0x400, $0x38;
	[tilespmem:$0x1E400] =	vst v63  }
0x17: {  	s23 =	simm.s32 $0x1000;
	_ =	swait.ge [sflag:s14], $0x400  }
.LBB2_2:
0x18: {  	s24 =	sshra.s32 s23, $0x2;
	[sflag:s14] =	ssyncset.done $0x0;
	p0 =	sne.s32 s23, $0x4E000  }
.Ltmp0:
0x19: {  	s24 =	sadd.s32 s24, s6;
	[sflag:s14] =	ssyncadd.s32 $0xFFFFFC00;
	(pc) =	sbr.rel @p0 .LBB2_2-.Ltmp0, $3  }
0x1a: {  	[spmem:s24] =	stream.linear.scatter [tilespmem:s13], [sflag:$0x3], $0x400, $0x38;
	[tilespmem:$0x1E400] =	vst v63  }
0x1b: {  	s23 =	sadd.s32 $0x1000, s23;
	_ =	sdelay $0x1  }
0x1c: {  	_ =	swait.ge [sflag:s14], $0x400  }
0x1d: {  	[sflag:s14] =	ssyncset.done $0x0  }
0x1e: {  	[sflag:s14] =	ssyncadd.s32 $0xFFFFFC00  }
0x1f: {  	s23 =	simm.s32 $0x0;
	[bflag:$0x0] =	sbarrier.arrive $0xFFFF  }
0x20: {  	[tilespmem:s23], [sflag:$0x3] =	stream.linear.gather [hbm4b:s7+s23], $0x1400, $0x38;
	[tilespmem:$0x1E400] =	vst v63  }
0x21: {  	_ =	swait.ge [sflag:s14], $0x1400  }
0x22: {  	[sflag:s14] =	ssyncset.done $0x0  }
0x23: {  	s24 =	simm.s32 $0x1400;
	[sflag:s14] =	ssyncadd.s32 $0xFFFFEC00  }
0x24: {  	[tilespmem:s24], [sflag:$0x3] =	stream.linear.gather [hbm4b:s8+s23], $0x1400, $0x38;
	[tilespmem:$0x1E400] =	vst v63  }
0x25: {  	_ =	swait.ge [sflag:s14], $0x1400  }
0x26: {  	[sflag:s14] =	ssyncset.done $0x0  }
0x27: {  	s25 =	simm.s32 $0x80;
	[sflag:s14] =	ssyncadd.s32 $0xFFFFEC00  }
0x28: {  	[tilespmem:s13], [sflag:$0x1] =	stream.indirect.gather [hbm4b:s1+s25], $0x80, s23, s25, $0xb8;
	[tilespmem:$0x1E400] =	vst v63  }
0x29: {  	s23 =	sand.u32 $0x1, s23  }
0x2a: {  	p0 =	seq.s32 s23, $0x1  }
0x2b: {  	s23 =	simm.s32 @p0 $0x80;
	s26 =	simm.s32 @p0 $0x2800  }
0x2c: {  	[tilespmem:s26], [sflag:$0x1] =	stream.indirect.gather @p0 [hbm4b:s1+s23], $0x80, s25, s23, $0xb8;
	[tilespmem:$0x1E400] =	vst v63  }
0x2d: {  	s28 =	simm.s32 @!p0 $0x80;
	s29 =	simm.s32 @p0 $0x2;
	s26 =	simm.s32 @!p0 $0x6800  }
0x2e: {  	[tilespmem:s26], [sflag:$0x2] =	stream.indirect.gather @!p0 [hbm4b:s1+s28], $0x80, s25, s28, $0xb8;
	[tilespmem:$0x1E400] =	vst v63  }
0x2f: {  	_ =	swait.ge @p0 [sflag:s29], $0x4000  }
0x30: {  	[sflag:s29] =	ssyncset.done @p0 $0x0  }
0x31: {  	s30 =	simm.s32 @!p0 $0x1;
	s25 =	simm.s32 @p0 $0x6800;
	[sflag:s29] =	ssyncadd.s32 @p0 $0xFFFFC000  }
0x32: {  	[spmem:s2] =	stream.indirect.scatter.add.f32 @p0 [tilespmem:s25], [sflag:$0x3], $0x80, s24, s23, $0xb8;
	[tilespmem:$0x1E400] =	vst v63  }
0x33: {  	_ =	swait.ge @!p0 [sflag:s30], $0x4000  }
0x34: {  	s31 =	simm.s32 $0x1;
	s26 =	simm.s32 @!p0 $0x4;
	[sflag:s30] =	ssyncset.done @!p0 $0x0  }
0x35: {  	s26 =	simm.s32 @p0 $0x3;
	s29 =	simm.s32 @!p0 $0x2800;
	[sflag:s30] =	ssyncadd.s32 @!p0 $0xFFFFC000  }
0x36: {  	[spmem:s2] =	stream.indirect.scatter.add.f32 @!p0 [tilespmem:s29], [sflag:$0x4], $0x80, s24, s28, $0xb8;
	[tilespmem:$0x1E400] =	vst v63  }
0x37: {  	s25 =	simm.s32 $0x2;
	s23 =	sand.u32 $0x1, s31;
	s24 =	simm.s32 $0x100  }
0x38: {  	p0 =	seq.s32 s23, $0x1;
	s23 =	simm.s32 $0x1480;
	_ =	swait.ge [sflag:s26], $0x4000  }
.LBB2_4:
0x39: {  	s28 =	simm.s32 @p0 $0x80;
	s29 =	simm.s32 @p0 $0x2800;
	[sflag:s26] =	ssyncset.done $0x0  }
0x3a: {  	s30 =	smov.u32 s25;
	s25 =	sadd.s32 $0x1, s25;
	[sflag:s26] =	ssyncadd.s32 $0xFFFFC000  }
0x3b: {  	[tilespmem:s29], [sflag:$0x1] =	stream.indirect.gather @p0 [hbm4b:s1+s28], $0x80, s24, s28, $0xb8;
	[tilespmem:$0x1E400] =	vst v63  }
0x3c: {  	s31 =	simm.s32 @p0 $0x2;
	s26 =	simm.s32 @!p0 $0x6800;
	s29 =	simm.s32 @!p0 $0x80  }
0x3d: {  	[tilespmem:s26], [sflag:$0x2] =	stream.indirect.gather @!p0 [hbm4b:s1+s29], $0x80, s24, s29, $0xb8;
	[tilespmem:$0x1E400] =	vst v63  }
0x3e: {  	p1 =	sne.s32 s25, $0x27;
	_ =	swait.ge @p0 [sflag:s31], $0x4000  }
0x3f: {  	s0 =	simm.s32 @!p0 $0x1;
	s26 =	simm.s32 @p0 $0x6800;
	[sflag:s31] =	ssyncset.done @p0 $0x0  }
0x40: {  	[sflag:s31] =	ssyncadd.s32 @p0 $0xFFFFC000  }
0x41: {  	[spmem:s2] =	stream.indirect.scatter.add.f32 @p0 [tilespmem:s26], [sflag:$0x3], $0x80, s23, s28, $0xb8;
	[tilespmem:$0x1E400] =	vst v63  }
.Ltmp1:
0x42: {  	s24 =	sadd.s32 $0x80, s24;
	_ =	swait.ge @!p0 [sflag:s0], $0x4000;
	(pc) =	sbr.rel @p1 .LBB2_4-.Ltmp1, $4  }
0x43: {  	s28 =	simm.s32 @!p0 $0x2800;
	s26 =	simm.s32 @!p0 $0x4;
	[sflag:s0] =	ssyncset.done @!p0 $0x0  }
0x44: {  	s30 =	sand.u32 $0x1, s30;
	s26 =	simm.s32 @p0 $0x3;
	[sflag:s0] =	ssyncadd.s32 @!p0 $0xFFFFC000  }
0x45: {  	[spmem:s2] =	stream.indirect.scatter.add.f32 @!p0 [tilespmem:s28], [sflag:$0x4], $0x80, s23, s29, $0xb8;
	[tilespmem:$0x1E400] =	vst v63  }
0x46: {  	p0 =	seq.s32 s30, $0x1;
	s23 =	sadd.s32 $0x80, s23;
	_ =	swait.ge [sflag:s26], $0x4000  }
0x47: {  	[sflag:s26] =	ssyncset.done $0x0  }
0x48: {  	s0 =	simm.s32 @p0 $0x80;
	s25 =	simm.s32 @p0 $0x2800;
	[sflag:s26] =	ssyncadd.s32 $0xFFFFC000  }
0x49: {  	[tilespmem:s25], [sflag:$0x1] =	stream.indirect.gather @p0 [hbm4b:s1+s0], $0x80, s24, s0, $0xb8;
	[tilespmem:$0x1E400] =	vst v63  }
0x4a: {  	s28 =	simm.s32 @p0 $0x2;
	s26 =	simm.s32 @!p0 $0x6800;
	s25 =	simm.s32 @!p0 $0x80  }
0x4b: {  	[tilespmem:s26], [sflag:$0x2] =	stream.indirect.gather @!p0 [hbm4b:s1+s25], $0x80, s24, s25, $0xb8;
	[tilespmem:$0x1E400] =	vst v63  }
0x4c: {  	_ =	swait.ge @p0 [sflag:s28], $0x4000  }
0x4d: {  	[sflag:s28] =	ssyncset.done @p0 $0x0  }
0x4e: {  	s24 =	simm.s32 @p0 $0x6800;
	s26 =	simm.s32 @!p0 $0x1;
	[sflag:s28] =	ssyncadd.s32 @p0 $0xFFFFC000  }
0x4f: {  	[spmem:s2] =	stream.indirect.scatter.add.f32 @p0 [tilespmem:s24], [sflag:$0x3], $0x80, s23, s0, $0xb8;
	[tilespmem:$0x1E400] =	vst v63  }
0x50: {  	_ =	swait.ge @!p0 [sflag:s26], $0x4000  }
0x51: {  	s0 =	simm.s32 @!p0 $0x4;
	[sflag:s26] =	ssyncset.done @!p0 $0x0  }
0x52: {  	s24 =	simm.s32 @!p0 $0x2800;
	s0 =	simm.s32 @p0 $0x3;
	[sflag:s26] =	ssyncadd.s32 @!p0 $0xFFFFC000  }
0x53: {  	[spmem:s2] =	stream.indirect.scatter.add.f32 @!p0 [tilespmem:s24], [sflag:$0x4], $0x80, s23, s25, $0xb8;
	[tilespmem:$0x1E400] =	vst v63  }
0x54: {  	_ =	swait.ge [sflag:s0], $0x4000  }
0x55: {  	[sflag:s0] =	ssyncset.done $0x0  }
0x56: {  	[sflag:s0] =	ssyncadd.s32 $0xFFFFC000  }
0x57: {  	_ =	swait.ge [sflag:s15], $0x4000  }
0x58: {  	[sflag:s15] =	ssyncset.done $0x0  }
0x59: {  	s0 =	simm.s32 $0x80;
	[sflag:s15] =	ssyncadd.s32 $0xFFFFC000  }
0x5a: {  	[spmem:s2] =	stream.indirect.scatter.add.f32 [tilespmem:s17], [sflag:$0x3], $0x80, s16, s0, $0xb8;
	[tilespmem:$0x1E400] =	vst v63  }
0x5b: {  	_ =	swait.ge [sflag:s14], $0x4000  }
0x5c: {  	[sflag:s14] =	ssyncset.done $0x0  }
0x5d: {  	s30 =	simm.s32 $0x0;
	[sflag:s14] =	ssyncadd.s32 $0xFFFFC000  }
0x5e: {  	[tilespmem:s30], [sflag:$0x3] =	stream.linear.gather [hbm4b:s9+s30], $0x1400, $0x38;
	[tilespmem:$0x1E400] =	vst v63  }
0x5f: {  	_ =	swait.ge [sflag:s14], $0x1400  }
0x60: {  	[sflag:s14] =	ssyncset.done $0x0  }
0x61: {  	s24 =	simm.s32 $0x1400;
	[sflag:s14] =	ssyncadd.s32 $0xFFFFEC00  }
0x62: {  	[tilespmem:s24], [sflag:$0x3] =	stream.linear.gather [hbm4b:s10+s30], $0x1400, $0x38;
	[tilespmem:$0x1E400] =	vst v63  }
0x63: {  	_ =	swait.ge [sflag:s14], $0x1400  }
0x64: {  	s23 =	sand.u32 $0x1, s30;
	[sflag:s14] =	ssyncset.done $0x0  }
0x65: {  	p0 =	seq.s32 s23, $0x1;
	[sflag:s14] =	ssyncadd.s32 $0xFFFFEC00  }
0x66: {  	[tilespmem:s13], [sflag:$0x1] =	stream.indirect.gather [hbm4b:s1+s0], $0x80, s30, s0, $0xb8;
	[tilespmem:$0x1E400] =	vst v63  }
0x67: {  	s23 =	simm.s32 @p0 $0x80;
	s25 =	simm.s32 @p0 $0x2800  }
0x68: {  	[tilespmem:s25], [sflag:$0x1] =	stream.indirect.gather @p0 [hbm4b:s1+s23], $0x80, s0, s23, $0xb8;
	[tilespmem:$0x1E400] =	vst v63  }
0x69: {  	s28 =	simm.s32 @!p0 $0x80;
	s26 =	simm.s32 @p0 $0x2;
	s25 =	simm.s32 @!p0 $0x6800  }
0x6a: {  	[tilespmem:s25], [sflag:$0x2] =	stream.indirect.gather @!p0 [hbm4b:s1+s28], $0x80, s0, s28, $0xb8;
	[tilespmem:$0x1E400] =	vst v63  }
0x6b: {  	_ =	swait.ge @p0 [sflag:s26], $0x4000  }
0x6c: {  	[sflag:s26] =	ssyncset.done @p0 $0x0  }
0x6d: {  	s29 =	simm.s32 @!p0 $0x1;
	s0 =	simm.s32 @p0 $0x6800;
	[sflag:s26] =	ssyncadd.s32 @p0 $0xFFFFC000  }
0x6e: {  	[spmem:s2] =	stream.indirect.scatter.add.f32 @p0 [tilespmem:s0], [sflag:$0x3], $0x80, s24, s23, $0xb8;
	[tilespmem:$0x1E400] =	vst v63  }
0x6f: {  	_ =	swait.ge @!p0 [sflag:s29], $0x4000  }
0x70: {  	s31 =	simm.s32 $0x1;
	s25 =	simm.s32 $0x2;
	[sflag:s29] =	ssyncset.done @!p0 $0x0  }
0x71: {  	s26 =	simm.s32 @!p0 $0x4;
	s23 =	simm.s32 @!p0 $0x2800;
	[sflag:s29] =	ssyncadd.s32 @!p0 $0xFFFFC000  }
0x72: {  	[spmem:s2] =	stream.indirect.scatter.add.f32 @!p0 [tilespmem:s23], [sflag:$0x4], $0x80, s24, s28, $0xb8;
	[tilespmem:$0x1E400] =	vst v63  }
0x73: {  	s0 =	sand.u32 $0x1, s31;
	s26 =	simm.s32 @p0 $0x3;
	s24 =	simm.s32 $0x100  }
0x74: {  	p0 =	seq.s32 s0, $0x1;
	s23 =	simm.s32 $0x1480;
	_ =	swait.ge [sflag:s26], $0x4000  }
.LBB2_6:
0x75: {  	s0 =	simm.s32 @p0 $0x80;
	s28 =	simm.s32 @p0 $0x2800;
	[sflag:s26] =	ssyncset.done $0x0  }
0x76: {  	s29 =	smov.u32 s25;
	s25 =	sadd.s32 $0x1, s25;
	[sflag:s26] =	ssyncadd.s32 $0xFFFFC000  }
0x77: {  	[tilespmem:s28], [sflag:$0x1] =	stream.indirect.gather @p0 [hbm4b:s1+s0], $0x80, s24, s0, $0xb8;
	[tilespmem:$0x1E400] =	vst v63  }
0x78: {  	s30 =	simm.s32 @p0 $0x2;
	s26 =	simm.s32 @!p0 $0x6800;
	s28 =	simm.s32 @!p0 $0x80  }
0x79: {  	[tilespmem:s26], [sflag:$0x2] =	stream.indirect.gather @!p0 [hbm4b:s1+s28], $0x80, s24, s28, $0xb8;
	[tilespmem:$0x1E400] =	vst v63  }
0x7a: {  	p1 =	sne.s32 s25, $0x26;
	_ =	swait.ge @p0 [sflag:s30], $0x4000  }
0x7b: {  	s31 =	simm.s32 @!p0 $0x1;
	s26 =	simm.s32 @p0 $0x6800;
	[sflag:s30] =	ssyncset.done @p0 $0x0  }
0x7c: {  	[sflag:s30] =	ssyncadd.s32 @p0 $0xFFFFC000  }
0x7d: {  	[spmem:s2] =	stream.indirect.scatter.add.f32 @p0 [tilespmem:s26], [sflag:$0x3], $0x80, s23, s0, $0xb8;
	[tilespmem:$0x1E400] =	vst v63  }
.Ltmp2:
0x7e: {  	s24 =	sadd.s32 $0x80, s24;
	_ =	swait.ge @!p0 [sflag:s31], $0x4000;
	(pc) =	sbr.rel @p1 .LBB2_6-.Ltmp2, $4  }
0x7f: {  	s0 =	simm.s32 @!p0 $0x2800;
	s26 =	simm.s32 @!p0 $0x4;
	[sflag:s31] =	ssyncset.done @!p0 $0x0  }
0x80: {  	s29 =	sand.u32 $0x1, s29;
	s26 =	simm.s32 @p0 $0x3;
	[sflag:s31] =	ssyncadd.s32 @!p0 $0xFFFFC000  }
0x81: {  	[spmem:s2] =	stream.indirect.scatter.add.f32 @!p0 [tilespmem:s0], [sflag:$0x4], $0x80, s23, s28, $0xb8;
	[tilespmem:$0x1E400] =	vst v63  }
0x82: {  	p0 =	seq.s32 s29, $0x1;
	s23 =	sadd.s32 $0x80, s23;
	_ =	swait.ge [sflag:s26], $0x4000  }
0x83: {  	[sflag:s26] =	ssyncset.done $0x0  }
0x84: {  	s0 =	simm.s32 @p0 $0x80;
	s25 =	simm.s32 @p0 $0x2800;
	[sflag:s26] =	ssyncadd.s32 $0xFFFFC000  }
0x85: {  	[tilespmem:s25], [sflag:$0x1] =	stream.indirect.gather @p0 [hbm4b:s1+s0], $0x80, s24, s0, $0xb8;
	[tilespmem:$0x1E400] =	vst v63  }
0x86: {  	s28 =	simm.s32 @p0 $0x2;
	s26 =	simm.s32 @!p0 $0x6800;
	s25 =	simm.s32 @!p0 $0x80  }
0x87: {  	[tilespmem:s26], [sflag:$0x2] =	stream.indirect.gather @!p0 [hbm4b:s1+s25], $0x80, s24, s25, $0xb8;
	[tilespmem:$0x1E400] =	vst v63  }
0x88: {  	_ =	swait.ge @p0 [sflag:s28], $0x4000  }
0x89: {  	[sflag:s28] =	ssyncset.done @p0 $0x0  }
0x8a: {  	s24 =	simm.s32 @p0 $0x6800;
	s26 =	simm.s32 @!p0 $0x1;
	[sflag:s28] =	ssyncadd.s32 @p0 $0xFFFFC000  }
0x8b: {  	[spmem:s2] =	stream.indirect.scatter.add.f32 @p0 [tilespmem:s24], [sflag:$0x3], $0x80, s23, s0, $0xb8;
	[tilespmem:$0x1E400] =	vst v63  }
0x8c: {  	_ =	swait.ge @!p0 [sflag:s26], $0x4000  }
0x8d: {  	s0 =	simm.s32 @!p0 $0x4;
	[sflag:s26] =	ssyncset.done @!p0 $0x0  }
0x8e: {  	s24 =	simm.s32 @!p0 $0x2800;
	s0 =	simm.s32 @p0 $0x3;
	[sflag:s26] =	ssyncadd.s32 @!p0 $0xFFFFC000  }
0x8f: {  	[spmem:s2] =	stream.indirect.scatter.add.f32 @!p0 [tilespmem:s24], [sflag:$0x4], $0x80, s23, s25, $0xb8;
	[tilespmem:$0x1E400] =	vst v63  }
0x90: {  	_ =	swait.ge [sflag:s0], $0x4000  }
0x91: {  	[sflag:s0] =	ssyncset.done $0x0  }
0x92: {  	[sflag:s0] =	ssyncadd.s32 $0xFFFFC000  }
0x93: {  	_ =	swait.ge [sflag:s18], $0x4000  }
0x94: {  	[sflag:s18] =	ssyncset.done $0x0  }
0x95: {  	[sflag:s18] =	ssyncadd.s32 $0xFFFFC000  }
0x96: {  	[spmem:s2] =	stream.indirect.scatter.add.f32 [tilespmem:s13], [sflag:$0x4], $0x80, s20, s19, $0xb8;
	[tilespmem:$0x1E400] =	vst v63  }
0x97: {  	_ =	swait.ge [sflag:s21], $0x4000  }
0x98: {  	s30 =	sshll.u32 s3, $0x6;
	s22 =	sadd.s32 $0x1, s22;
	[sflag:s21] =	ssyncset.done $0x0  }
0x99: {  	s31 =	sshrl.u32 s6, $0x3;
	p0 =	sne.s32 s22, s12;
	[sflag:s21] =	ssyncadd.s32 $0xFFFFC000  }
.Ltmp3:
0x9a: {  	s0 =	sor.u32 $0x1C03, s30;
	[bflag:$0x0] =	sbarrier.arrive $0xFFFF;
	(pc) =	sbr.rel @p0 .LBB2_1-.Ltmp3, $4  }
0x9b: {  	[hbm:s11], [sflag:s0] =	dma.local [spmem:s31], $0x2780  }
0x9c: {  	_ =	swait.ge [sflag:s14], $0x2780  }
0x9d: {  	[sflag:s14] =	ssyncset.done $0x0  }
0x9e: {  	[sflag:s14] =	ssyncadd.s32 $0xFFFFD880  }
0x9f: {  	_ =	sfence.sel $0x180000  }
0xa0: {  	[bflag:$0x0] =	sbarrier.arrive $0xFFFF  }
0xa1: {  	_ =	strace $0x9000004A  }
0xa2: {  	[bflag:$0x2] =	sbarrier.arrive $0xFFFF  }
0xa3: {  	p0 =	sne.s32 s3, $0x0;
	s0 =	rddreg [dreg:$0x4]  }
0xa4: {  	s0 =	sadd.s32 @!p0 $0x100000, s0  }
0xa5: {  	[sflag:s0] =	ssyncadd.tile.s32 @!p0 $0x1;
	_ =	shalt  }
.Lfunc_end2:
_tile_overlayer_lowered:
.L_overlay_start_2:
0xa6: {  	(tag) =	ssettag $0x2  }
0xa7: {  	s0 =	rddreg [dreg:$0x0];
	s2 =	stileid.u32  }
0xa8: {  	s1 =	rddreg [dreg:$0x1];
	p0 =	sne.s32 s2, $0x0  }
0xa9: {  	s3 =	rddreg [dreg:$0x2];
	[bflag:$0x3] =	sbarrier.arrive $0xFFFF;
	s2 =	simm.s32 @!p0 $0x1C03  }
0xaa: {  	[timem:s3], [sflag:s2] =	dma.local @!p0 [hbm:s0], s1  }
0xab: {  	s0 =	simm.s32 @!p0 $0x3  }
0xac: {  	_ =	swait.ge @!p0 [sflag:s0], s1  }
0xad: {  	s1 =	ssub.s32 @!p0 $0x0, s1;
	[sflag:s0] =	ssyncset.done @!p0 $0x0  }
0xae: {  	[sflag:s0] =	ssyncadd.s32 @!p0 s1  }
0xaf: {  	[bflag:$0x3] =	sbarrier.arrive $0xFFFF  }
0xb0: {  	_ =	shalt  }

// kernel: kernel.8.cloned.1.call-start
scs
__scs_entry_jumppad:
0x0: {  	(pc) =	sbr.rel $0x88, $3  }
0x1: {  	(tag) =	ssettag $0x0;
	lr =	simm.s32 $0x1  }
0x2: {  	[smem:$0x3F9A] =	sst lr;
	_ =	strace $0xD0000000  }
0x3: {  	_ = 	snop  }
0x4: {  	_ = 	snop  }
0x5: {  	_ = 	snop  }
0x6: {  	_ = 	snop  }
0x7: {  	_ = 	snop  }
__scs_overlays_trampoline_lowered:
0x8: {  	[smem:$0x3FA9] =	sst s0  }
0x9: {  	[smem:$0x3FAA] =	sst s1  }
0xa: {  	[smem:$0x3FAB] =	sst s2  }
0xb: {  	[smem:$0x3FAC] =	sst s3  }
0xc: {  	[smem:$0x3FAD] =	sst s4  }
0xd: {  	[smem:$0x3FAE] =	sst s5  }
0xe: {  	[smem:$0x3FAF] =	sst s6  }
0xf: {  	[smem:$0x3FB0] =	sst s7  }
0x10: {  	[smem:$0x3FB1] =	sst s8  }
0x11: {  	[smem:$0x3FB2] =	sst s9;
	s0 =	simm.s32 @!p0 $0x0  }
0x12: {  	s1 =	sld [smem:$0x3F98];
	s0 =	simm.s32 @p0 $0x1  }
0x13: {  	[smem:$0x3FB3] =	sst s0;
	s0 =	simm.s32 @!p1 $0x0  }
0x14: {  	s2 =	sld [smem:$0x3F97];
	s0 =	simm.s32 @p1 $0x1  }
0x15: {  	[smem:$0x3FB4] =	sst s0;
	s0 =	simm.s32 @!p2 $0x0  }
0x16: {  	s3 =	sld [smem:$0x3FDB];
	s0 =	simm.s32 @p2 $0x1  }
0x17: {  	s4 =	simm.s32 $0x1BF5;
	[smem:$0x3FB6] =	sst s0  }
0x18: {  	s0 =	sld [smem:$0x3F99];
	_ =	swait.ge [sflag:s4], $0x0  }
0x19: {  	s7 =	sld [smem:$0x3F9A]  }
0x1a: {  	s8 =	sadd.s32 $0xFFFFE003, lr  }
0x1b: {  	s9 =	sadd.s32 $0xFFFFFEF7, lr;
	s5 =	simm.s32 $0xFFFFFFFF;
	p2 =	slt.u32 s8, $0xFFFFF086  }
0x1c: {  	p1 =	slt.u32 s9, $0xF7A;
	s5 =	simm.s32 @!p2 $0x0  }
0x1d: {  	s5 =	simm.s32 @p1 $0x1;
	p0 =	seq.s32 s7, s2  }
0x1e: {  	s7 =	smul.u32 @!p0 $0xF7A, s2;
	p2 =	seq.s32 @!p0 s5, $0x0  }
0x1f: {  	s9 =	smul.u32 $0xF7A, s1;
	s8 =	simm.s32 @!p0 $0x1BF5;
	p2 =	por !p2, p0  }
0x20: {  	[sflag:s8] =	ssyncset.s32 @!p0 $0xFFFFF086;
	s6 =	sadd.s32 @!p0 s3, s7;
	s7 =	simm.s32 @!p0 $0x108  }
0x21: {  	s3 =	sadd.s32 s3, s9;
	s6 =	sadd.s32 @!p0 $0x88, s6;
	s7 =	simm.s32 @p2 $0x1082  }
0x22: {  	[simem:s7], [sflag:s8] =	dma.local @!p0 [hbm:s6], $0xF7A  }
0x23: {  	s9 =	sor.u32 $0xD0000000, s2;
	s6 =	simm.s32 $0x108;
	_ =	swait.ge @!p0 [sflag:s8], $0x0  }
0x24: {  	s3 =	sadd.s32 $0x88, s3;
	s6 =	simm.s32 @!p1 $0x1082;
	[sflag:s4] =	ssyncset.s32 $0xFFFFF086  }
0x25: {  	[simem:s6], [sflag:s4] =	dma.local [hbm:s3], $0xF7A  }
0x26: {  	[smem:$0x3F9A] =	sst s1;
	(tag) =	ssettag s2;
	_ =	strace s9  }
0x27: {  	s1 =	sld [smem:$0x3FAA]  }
0x28: {  	s2 =	sld [smem:$0x3FAB]  }
0x29: {  	s4 =	sld [smem:$0x3FAD]  }
0x2a: {  	p0 =	seq.s32 s5, $0x0;
	s5 =	sld [smem:$0x3FAE]  }
0x2b: {  	s6 =	sld [smem:$0x3FAF]  }
0x2c: {  	s7 =	sld [smem:$0x3FB0]  }
0x2d: {  	s3 =	simm.s32 $0x108;
	s8 =	sld [smem:$0x3FB1]  }
0x2e: {  	s3 =	simm.s32 @!p0 $0x1082;
	s9 =	sld [smem:$0x3FB2]  }
0x2f: {  	lr =	sadd.s32 s0, s3;
	s0 =	sld [smem:$0x3FA9]  }
0x30: {  	s3 =	sld [smem:$0x3FAC]  }
0x31: {  	[smem:$0x3FB5] =	sst s10  }
0x32: {  	s10 =	sld [smem:$0x3FB3];
	_ =	sdelay $0x3  }
0x33: {  	p0 =	seq.s32 s10, $0x1;
	s10 =	sld [smem:$0x3FB5];
	_ =	sdelay $0x3  }
0x34: {  	[smem:$0x3FB5] =	sst s10  }
0x35: {  	s10 =	sld [smem:$0x3FB4];
	_ =	sdelay $0x3  }
0x36: {  	p1 =	seq.s32 s10, $0x1;
	s10 =	sld [smem:$0x3FB5];
	_ =	sdelay $0x3  }
0x37: {  	[smem:$0x3FB5] =	sst s10  }
0x38: {  	s10 =	sld [smem:$0x3FB6]  }
0x39: {  	_ = 	snop;
	(pc) =	sbr.ind lr, $3  }
0x3a: {  	_ = 	snop  }
0x3b: {  	_ = 	snop  }
0x3c: {  	p2 =	seq.s32 s10, $0x1;
	s10 =	sld [smem:$0x3FB5]  }
0x3d: {  	_ =	shalt  }
0x3e: {  	_ =	shalt  }
0x3f: {  	_ =	shalt  }
0x40: {  	_ =	shalt  }
0x41: {  	_ =	shalt  }
0x42: {  	_ =	shalt  }
0x43: {  	_ =	shalt  }
0x44: {  	_ =	shalt  }
0x45: {  	_ =	shalt  }
0x46: {  	_ =	shalt  }
0x47: {  	_ =	shalt  }
0x48: {  	_ =	shalt  }
0x49: {  	_ =	shalt  }
0x4a: {  	_ =	shalt  }
0x4b: {  	_ =	shalt  }
0x4c: {  	_ =	shalt  }
0x4d: {  	_ =	shalt  }
0x4e: {  	_ =	shalt  }
0x4f: {  	_ =	shalt  }
0x50: {  	_ =	shalt  }
0x51: {  	_ =	shalt  }
0x52: {  	_ =	shalt  }
0x53: {  	_ =	shalt  }
0x54: {  	_ =	shalt  }
0x55: {  	_ =	shalt  }
0x56: {  	_ =	shalt  }
0x57: {  	_ =	shalt  }
0x58: {  	_ =	shalt  }
0x59: {  	_ =	shalt  }
0x5a: {  	_ =	shalt  }
0x5b: {  	_ =	shalt  }
0x5c: {  	_ =	shalt  }
0x5d: {  	_ =	shalt  }
0x5e: {  	_ =	shalt  }
0x5f: {  	_ =	shalt  }
0x60: {  	_ =	shalt  }
0x61: {  	_ =	shalt  }
0x62: {  	_ =	shalt  }
0x63: {  	_ =	shalt  }
0x64: {  	_ =	shalt  }
0x65: {  	_ =	shalt  }
0x66: {  	_ =	shalt  }
0x67: {  	_ =	shalt  }
0x68: {  	_ =	shalt  }
0x69: {  	_ =	shalt  }
0x6a: {  	_ =	shalt  }
0x6b: {  	_ =	shalt  }
0x6c: {  	_ =	shalt  }
0x6d: {  	_ =	shalt  }
0x6e: {  	_ =	shalt  }
0x6f: {  	_ =	shalt  }
0x70: {  	_ =	shalt  }
0x71: {  	_ =	shalt  }
0x72: {  	_ =	shalt  }
0x73: {  	_ =	shalt  }
0x74: {  	_ =	shalt  }
0x75: {  	_ =	shalt  }
0x76: {  	_ =	shalt  }
0x77: {  	_ =	shalt  }
0x78: {  	_ =	shalt  }
0x79: {  	_ =	shalt  }
0x7a: {  	_ =	shalt  }
0x7b: {  	_ =	shalt  }
0x7c: {  	_ =	shalt  }
0x7d: {  	_ =	shalt  }
0x7e: {  	_ =	shalt  }
0x7f: {  	_ =	shalt  }
0x80: {  	_ =	shalt  }
0x81: {  	_ =	shalt  }
0x82: {  	_ =	shalt  }
0x83: {  	_ =	shalt  }
0x84: {  	_ =	shalt  }
0x85: {  	_ =	shalt  }
0x86: {  	_ =	shalt  }
0x87: {  	_ =	shalt  }
.Lfunc_end0:
.L_simem_size_0:
called_computation.1_lowered:
.L_overlay_start_0:
0x88: {  	s2 =	sld [smem:$0x3FD9]  }
0x89: {  	s3 =	sld [smem:$0x3FFE];
	_ =	sdelay $0x1  }
0x8a: {  	s1 =	srdreg.scid  }
0x8b: {  	s0 =	sand.u32 $0x1, s1  }
0x8c: {  	s16 =	sshll.u32 s0, $0xA;
	s2 =	sadd.s32 s3, s2  }
0x8d: {  	s2 =	sadd.s32 s2, s16  }
0x8e: {  	[smem:$0x3FC1] =	sst s2  }
0x8f: {  	_ = 	snop  }
0x90: {  	(tm) =	ssettm $0x1  }
0x91: {  	s17 =	sld [smem:$0x3FFB];
	_ =	sdelay $0x3  }
0x92: {  	_ =	strace s17  }
0x93: {  	s2 =	sld [smem:$0x3FFC];
	_ =	sdelay $0x3  }
0x94: {  	_ =	strace s2  }
0x95: {  	s2 =	sld [smem:$0x3FFD];
	_ =	sdelay $0x3  }
0x96: {  	_ =	strace s2  }
0x97: {  	_ =	strace $0x8FFFFFFF  }
0x98: {  	s18 =	sld [smem:$0x3FDB];
	_ =	sdelay $0x1  }
0x99: {  	s19 =	simm.s32 $_scs_section_size  }
0x9a: {  	s4 =	simm.s32 $_size__tile_overlayer_lowered;
	s5 =	simm.s32 $_tile_overlayer_lowered  }
0x9b: {  	s22 =	simm.s32 $0x1BFF;
	s21 =	sshll.u32 s5, $0x1;
	s2 =	sadd.s32 s19, s18  }
0x9c: {  	s6 =	simm.s32 $0x0;
	s20 =	sshll.u32 s4, $0x1;
	s4 =	sadd.s32 s21, s2  }
0x9d: {  	[timem:s6], [sflag:s22] =	dma.local [hbm:s4], s20  }
0x9e: {  	_ =	swait.ge [sflag:s22], s20  }
0x9f: {  	s3 =	ssub.s32 $0x0, s20;
	[sflag:s22] =	ssyncset.done $0x0  }
0xa0: {  	[sflag:s22] =	ssyncadd.s32 s3;
	_ =	sdelay $0x1  }
0xa1: {  	s23 =	simm.s32 $0x1B8B  }
0xa2: {  	_ =	swait.ge [sflag:s23], $0x1  }
0xa3: {  	[sflag:s23] =	ssyncset.done $0x0  }
0xa4: {  	s25 =	simm.s32 $0x1B8E;
	s24 =	sld [smem:$0x3FFE];
	[sflag:s23] =	ssyncadd.s32 $0xFFFFFFFF  }
0xa5: {  	s26 =	simm.s32 $execute0_lowered;
	[smem:$0x3FD2] =	sst s25  }
0xa6: {  	s4 =	sshll.u32 s26, $0x1;
	_ =	strace $0x80000046;
	[dreg:$0x1] =	wrdreg $0xFFFFFFFF  }
0xa7: {  	s28 =	simm.s32 $_size_execute0_lowered;
	s2 =	sadd.s32 s2, s4;
	[dreg:$0x0] =	wrdreg $0x0  }
0xa8: {  	s4 =	sshll.u32 s28, $0x1;
	[dreg:$0x2] =	wrdreg s2  }
0xa9: {  	[dreg:$0x3] =	wrdreg s4  }
0xaa: {  	[dreg:$0x4] =	wrdreg $0xC0  }
0xab: {  	_ =	task [dreg:s6], $0x5FFFF  }
0xac: {  	[dreg:$0x1] =	wrdreg $0xFFFFFFFF  }
0xad: {  	[dreg:$0x0] =	wrdreg $0x60  }
0xae: {  	[dreg:$0x2] =	wrdreg s24  }
0xaf: {  	[dreg:$0x3] =	wrdreg $0x50800  }
0xb0: {  	[dreg:$0x4] =	wrdreg $0xA  }
0xb1: {  	_ =	task.clear_ibuf [dreg:s6], $0x5FFFF;
	_ =	strace $0x90000046  }
0xb2: {  	s29 =	simm.s32 $0xA;
	_ =	strace $0x80000048  }
0xb3: {  	_ =	swait.ge [sflag:s29], $0x1  }
0xb4: {  	[sflag:s29] =	ssyncadd.s32 $0xFFFFFFFF  }
0xb5: {  	_ =	strace $0x90000048  }
0xb6: {  	_ =	sfence  }
0xb7: {  	s30 =	sld [smem:$0x0];
	_ =	sdelay $0x2  }
0xb8: {  	s31 =	sshll.u32 s1, $0xD;
	s1 =	sshrl.u32 s1, $0x2  }
0xb9: {  	s3 =	sand.u32 $0x4000, s31;
	s1 =	sadd.s32 s1, s30  }
0xba: {  	s0 =	sor.u32 s3, s0;
	s1 =	sshll.u32 s1, $0x11  }
0xbb: {  	s0 =	sor.u32 s1, s0  }
0xbc: {  	s0 =	sadd.s32 $0x8F2B, s0  }
0xbd: {  	[sflag:s0] =	ssyncadd.remote.s32 $0x1  }
0xbe: {  	_ =	sfence.sel $0xFFFF  }
0xbf: {  	[dreg:$0x0] =	wrdreg $0xFFFFFFFF;
	(pc) =	sbr.abs _section_cstart, $3  }
0xc0: {  	[dreg:$0x1] =	wrdreg $0xFFFFFFFF  }
0xc1: {  	_ =	task.clear_ibuf [dreg:s6], $0x2FFFF;
	_ =	strace $0x9FFFFFFF  }
0xc2: {  	(tm) =	ssettm $0x7FFFFFFF  }
0xc3: {  	_ =	shalt  }
tec
execute0_lowered:
.L_overlay_start_1:
0x0: {  	(tag) =	ssettag $0x1  }
0x1: {  	s0 =	srdreg.scid;
	s5 =	rddreg [dreg:$0x0]  }
0x2: {  	s2 =	rddreg [dreg:$0x1];
	s3 =	simm.s32 $0x0;
	s11 =	simm.s32 $0x2800  }
0x3: {  	s12 =	simm.s32 $0x50;
	s13 =	simm.s32 $0x5000;
	s14 =	simm.s32 $0x0  }
0x4: {  	s4 =	sand.u32 $0x1, s0;
	s0 =	stileid.u32;
	[smem:$0x7FF] =	sst s3  }
0x5: {  	s1 =	sshll.u32 s4, $0x4;
	s7 =	smul.u32 $0x2800, s4;
	s8 =	sshll.u32 s0, $0xA  }
0x6: {  	s9 =	ssub.s32 $0x2, s4;
	s4 =	sadd.s32 $0xB200, s5;
	s6 =	sor.u32 s0, s1  }
0x7: {  	p0 =	sgt.u32 s0, $0x9;
	s1 =	rddreg [dreg:$0x2];
	s6 =	smul.u32 $0x500, s6  }
0x8: {  	_ =	strace $0x80000047;
	s10 =	sshrl.u32 s9, $0x1;
	s7 =	sadd.s32 s8, s7  }
0x9: {  	s9 =	ssub.s32 s9, s10;
	s7 =	sshrl.u32 s7, $0x3;
	s6 =	sadd.s32 s6, s5  }
0xa: {  	v0 =	vlaneseq.u32;
	s10 =	sadd.s32 s8, s2;
	s7 =	sadd.s32 s7, s5;
	s5 =	sadd.s32 $0x1200, s6  }
0xb: {  	v1 =	vimm.f32 $0.0e+00;
	v6 =	vimm.f32 $1.000000000e+00;
	v2 =	vor.u32 $0x10, v0;
	s6 =	sadd.s32 $0xB400, s7;
	s7 =	smax.u32 s9, $0x1;
	s9 =	sshll.u32 @!p0 s0, $0x6  }
0xc: {  	v3 =	vor.u32 $0x20, v0;
	v4 =	vor.u32 $0x30, v0;
	v5 =	vor.u32 $0x40, v0;
	s8 =	simm.s32 $0x1;
	s10 =	sshrl.u32 @!p0 s10, $0x3;
	s9 =	sor.u32 @!p0 $0x1C01, s9  }
.LBB2_1:
0xd: {  	[tilespmem:s3], [sflag:$0x1] =	stream.linear.gather [hbm4b:s5+s3], $0x2800, $0x38;
	[tilespmem:$0x5300] =	vst v63  }
0xe: {  	_ =	swait.ge [sflag:s8], $0x2800  }
0xf: {  	[sflag:s8] =	ssyncset.done $0x0  }
0x10: {  	s15 =	simm.s32 $0x70;
	s16 =	simm.s32 $0x3C0;
	[sflag:s8] =	ssyncadd.s32 $0xFFFFD800  }
.LBB2_2:
0x11: {  	p1 =	sne.s32 s16, $0x9FC0;
	[tilespmem:s15+$0x2800] =	vst v1  }
0x12: {  	[tilespmem:s15+$0x2790] =	vst v1  }
0x13: {  	[tilespmem:s15+$0x27A0] =	vst v1  }
.Ltmp0:
0x14: {  	[tilespmem:s15+$0x27B0] =	vst v1;
	(pc) =	sbr.rel @p1 .LBB2_2-.Ltmp0, $4  }
0x15: {  	[tilespmem:s15+$0x27C0] =	vst v1  }
0x16: {  	[tilespmem:s15+$0x27D0] =	vst v1  }
0x17: {  	[tilespmem:s15+$0x27E0] =	vst v1  }
0x18: {  	[tilespmem:s15+$0x27F0] =	vst v1;
	s15 =	sshra.s32 s16, $0x2;
	s16 =	sadd.s32 $0x200, s16  }
0x19: {  	[tilespmem:s15+$0x2800] =	vst v1  }
0x1a: {  	[tilespmem:s15+$0x2790] =	vst v1  }
0x1b: {  	[tilespmem:s15+$0x27A0] =	vst v1  }
0x1c: {  	[tilespmem:s15+$0x27B0] =	vst v1  }
0x1d: {  	[tilespmem:s15+$0x27C0] =	vst v1  }
0x1e: {  	[tilespmem:s15+$0x27D0] =	vst v1  }
0x1f: {  	[tilespmem:s15+$0x27E0] =	vst v1  }
0x20: {  	[tilespmem:s15+$0x27F0] =	vst v1  }
0x21: {  	[tilespmem:$0x5000] =	vst v0  }
0x22: {  	[tilespmem:$0x5010] =	vst v2  }
0x23: {  	[tilespmem:$0x5020] =	vst v3  }
0x24: {  	[tilespmem:$0x5030] =	vst v4  }
0x25: {  	s15 =	simm.s32 @!p0 $0x1;
	[tilespmem:$0x5040] =	vst v5  }
0x26: {  	[spmem:s10], [sflag:s9] =	dma.local @!p0 [hbm:s4], $0x80  }
0x27: {  	_ =	swait.ge @!p0 [sflag:s15], $0x80  }
0x28: {  	[sflag:s15] =	ssyncset.done @!p0 $0x0  }
0x29: {  	[sflag:s15] =	ssyncadd.s32 @!p0 $0xFFFFFF80  }
0x2a: {  	s15 =	simm.s32 $0x0;
	[bflag:$0x0] =	sbarrier.arrive $0xFFFF  }
.LBB2_4:
0x2b: {  	s16 =	sshra.s32 s15, $0x2  }
0x2c: {  	v7 =	vld [tilespmem:s16+$0x0];
	_ =	sdelay $0x7  }
0x2d: {  	[tilespmem:v7+s11+$0x0] =	vst.idx.add.f32.msk $0xffff, v6  }
0x2e: {  	v7 =	vld [tilespmem:s16+$0x10];
	_ =	sdelay $0x7  }
0x2f: {  	[tilespmem:v7+s11+$0x0] =	vst.idx.add.f32.msk $0xffff, v6  }
0x30: {  	v7 =	vld [tilespmem:s16+$0x20];
	_ =	sdelay $0x7  }
0x31: {  	[tilespmem:v7+s11+$0x0] =	vst.idx.add.f32.msk $0xffff, v6  }
0x32: {  	v7 =	vld [tilespmem:s16+$0x30];
	_ =	sdelay $0x7  }
0x33: {  	[tilespmem:v7+s11+$0x0] =	vst.idx.add.f32.msk $0xffff, v6  }
0x34: {  	v7 =	vld [tilespmem:s16+$0x40];
	_ =	sdelay $0x7  }
0x35: {  	[tilespmem:v7+s11+$0x0] =	vst.idx.add.f32.msk $0xffff, v6  }
0x36: {  	v7 =	vld [tilespmem:s16+$0x50];
	_ =	sdelay $0x7  }
0x37: {  	[tilespmem:v7+s11+$0x0] =	vst.idx.add.f32.msk $0xffff, v6  }
0x38: {  	v7 =	vld [tilespmem:s16+$0x60];
	_ =	sdelay $0x7  }
0x39: {  	[tilespmem:v7+s11+$0x0] =	vst.idx.add.f32.msk $0xffff, v6  }
0x3a: {  	v7 =	vld [tilespmem:s16+$0x70];
	_ =	sdelay $0x2  }
0x3b: {  	p1 =	sne.s32 s15, $0x9E00  }
.Ltmp1:
0x3c: {  	_ = 	snop;
	(pc) =	sbr.rel @p1 .LBB2_4-.Ltmp1, $2  }
0x3d: {  	_ =	sdelay $0x2  }
0x3e: {  	s15 =	sadd.s32 $0x200, s15;
	[tilespmem:v7+s11+$0x0] =	vst.idx.add.f32.msk $0xffff, v6  }
0x3f: {  	[spmem:s2] =	stream.indirect.scatter.add.f32 [tilespmem:s11], [sflag:$0x1], $0x80, s13, s12, $0xb8;
	[tilespmem:$0x5300] =	vst v63  }
0x40: {  	_ =	swait.ge [sflag:s8], $0x2800  }
0x41: {  	s14 =	sadd.s32 $0x1, s14;
	[sflag:s8] =	ssyncset.done $0x0  }
0x42: {  	p1 =	sne.s32 s14, s7;
	[sflag:s8] =	ssyncadd.s32 $0xFFFFD800  }
.Ltmp2:
0x43: {  	s15 =	simm.s32 @!p0 $0x1;
	[bflag:$0x0] =	sbarrier.arrive $0xFFFF;
	(pc) =	sbr.rel @p1 .LBB2_1-.Ltmp2, $4  }
0x44: {  	[hbm:s6], [sflag:s9] =	dma.local @!p0 [spmem:s10], $0x80  }
0x45: {  	_ =	swait.ge @!p0 [sflag:s15], $0x80  }
0x46: {  	[sflag:s15] =	ssyncset.done @!p0 $0x0  }
0x47: {  	[sflag:s15] =	ssyncadd.s32 @!p0 $0xFFFFFF80  }
0x48: {  	_ =	sfence.sel $0x180000  }
0x49: {  	[bflag:$0x0] =	sbarrier.arrive $0xFFFF  }
0x4a: {  	p0 =	sne.s32 s0, $0x0;
	_ =	strace $0x90000047  }
0x4b: {  	s0 =	sadd.s32 @!p0 $0x100000, s1;
	[bflag:$0x2] =	sbarrier.arrive $0xFFFF  }
0x4c: {  	[sflag:s0] =	ssyncadd.tile.s32 @!p0 $0x1;
	_ =	shalt  }
.Lfunc_end2:
_tile_overlayer_lowered:
.L_overlay_start_2:
0x4d: {  	(tag) =	ssettag $0x2  }
0x4e: {  	s0 =	rddreg [dreg:$0x0];
	s2 =	stileid.u32  }
0x4f: {  	s1 =	rddreg [dreg:$0x1];
	p0 =	sne.s32 s2, $0x0  }
0x50: {  	s3 =	rddreg [dreg:$0x2];
	[bflag:$0x3] =	sbarrier.arrive $0xFFFF;
	s2 =	simm.s32 @!p0 $0x1C01  }
0x51: {  	[timem:s3], [sflag:s2] =	dma.local @!p0 [hbm:s0], s1  }
0x52: {  	s0 =	simm.s32 @!p0 $0x1  }
0x53: {  	_ =	swait.ge @!p0 [sflag:s0], s1  }
0x54: {  	s1 =	ssub.s32 @!p0 $0x0, s1;
	[sflag:s0] =	ssyncset.done @!p0 $0x0  }
0x55: {  	[sflag:s0] =	ssyncadd.s32 @!p0 s1  }
0x56: {  	[bflag:$0x3] =	sbarrier.arrive $0xFFFF  }
0x57: {  	_ =	shalt  }

</sc_bundles>
